<compile_context>
chip_gen: v7x
topology: tpu7x:2x2x1
jax: 0.10.2.dev20260603
libtpu: 0.0.44.dev20260713+nightly
codegen_flags: <defaults>
</compile_context>

<pallas_src>
import functools

import jax
import jax.numpy as jnp
from jax import lax
from jax.experimental import pallas as pl
from jax.experimental.pallas import tpu as pltpu
from jax.experimental.pallas import tpu_sc as plsc

_N, _D, _H, _E = 32768, 768, 128, 64


_BN = 4096


def _mlp_body(x_ref, w1_ref, b1_ref, w2_ref, b2_ref, out_ref):
    h = jnp.dot(x_ref[...], w1_ref[...], preferred_element_type=jnp.float32)
    h = h + b1_ref[...]
    h = h * jax.nn.sigmoid(h)
    lg = jnp.dot(h, w2_ref[...], preferred_element_type=jnp.float32) + b2_ref[...]
    lgt = lg.T
    iot = lax.broadcasted_iota(jnp.int32, lgt.shape, 0)
    m1 = jnp.max(lgt, axis=0, keepdims=True)
    i1 = jnp.min(jnp.where(lgt == m1, iot, _E), axis=0, keepdims=True)
    masked = jnp.where(iot == i1, -jnp.inf, lgt)
    m2 = jnp.max(masked, axis=0, keepdims=True)
    i2 = jnp.min(jnp.where(masked == m2, iot, _E), axis=0, keepdims=True)
    t = jnp.exp(m2 - m1)
    denom = 1.0 + t
    out_ref[0:1, :] = 1.0 / denom
    out_ref[1:2, :] = t / denom
    out_ref[2:3, :] = i1.astype(jnp.float32)
    out_ref[3:4, :] = i2.astype(jnp.float32)


def _mlp_router(x, w1, b1, w2, b2, row0, nrows):
    blk0 = row0 // _BN
    return pl.pallas_call(
        _mlp_body,
        grid=(nrows // _BN,),
        in_specs=[
            pl.BlockSpec((_BN, _D), lambda i: (blk0 + i, 0)),
            pl.BlockSpec((_D, _H), lambda i: (0, 0)),
            pl.BlockSpec((1, _H), lambda i: (0, 0)),
            pl.BlockSpec((_H, _E), lambda i: (0, 0)),
            pl.BlockSpec((1, _E), lambda i: (0, 0)),
        ],
        out_specs=pl.BlockSpec((8, _BN), lambda i: (0, i)),
        out_shape=jax.ShapeDtypeStruct((8, nrows), jnp.float32),
    )(x, w1, b1.reshape(1, _H), w2, b2.reshape(1, _E))



_NC, _NS, _L = 2, 16, 16
_NW = _NC * _NS
_CH = 128
_G = _CH // _L
_IL = 4


def _topk_body(rpw, aux_hbm, out_hbm, aux_v, out_v, stash_v, in_sem, out_sem):
    wid = lax.axis_index("s") * _NC + lax.axis_index("c")
    lanes = lax.iota(jnp.int32, _L)
    zeros = jnp.zeros((_L,), jnp.float32)
    nchunk = rpw // _CH

    def _roff(ci):
        return wid * rpw + ci * _CH

    def _zero(i, _):
        out_v[0][i // (_CH // _L), pl.ds((i % (_CH // _L)) * _L, _L)] = zeros
        out_v[1][i // (_CH // _L), pl.ds((i % (_CH // _L)) * _L, _L)] = zeros
        return 0

    lax.fori_loop(0, (_CH * _E) // _L, _zero, 0)

    def _compute(p, stash):
        @plsc.parallel_loop(0, _G, unroll=_IL)
        def _group(g):
            l0 = g * _L
            cl = l0 + lanes
            p1 = aux_v[p][0, pl.ds(l0, _L)]
            p2 = aux_v[p][1, pl.ds(l0, _L)]
            i1 = aux_v[p][2, pl.ds(l0, _L)].astype(jnp.int32)
            i2 = aux_v[p][3, pl.ds(l0, _L)].astype(jnp.int32)
            plsc.store_scatter(out_v[p], [i1, cl], p1)
            plsc.store_scatter(out_v[p], [i2, cl], p2)
            if stash:
                stash_v[pl.ds((p * _G + g) * 2 * _L, _L)] = i1
                stash_v[pl.ds((p * _G + g) * 2 * _L + _L, _L)] = i2

    def _unset_zeros(p):
        def _unset(g, _):
            cl = g * _L + lanes
            s0 = pl.ds((p * _G + g) * 2 * _L, _L)
            s1 = pl.ds((p * _G + g) * 2 * _L + _L, _L)
            plsc.store_scatter(out_v[p], [stash_v[s0], cl], zeros)
            plsc.store_scatter(out_v[p], [stash_v[s1], cl], zeros)
            return 0

        lax.fori_loop(0, _G, _unset, 0)

    for ci in range(min(2, nchunk)):
        pltpu.async_copy(
            aux_hbm.at[:, pl.ds(_roff(ci), _CH)], aux_v[ci % 2], in_sem[ci % 2]
        )
    for ci in range(nchunk):
        p = ci % 2
        pltpu.make_async_copy(
            aux_hbm.at[:, pl.ds(_roff(ci), _CH)], aux_v[p], in_sem[p]
        ).wait()
        if ci >= 2:
            pltpu.make_async_copy(
                out_v[p], out_hbm.at[:, pl.ds(_roff(ci - 2), _CH)], out_sem[p]
            ).wait()
            _unset_zeros(p)
        _compute(p, stash=ci + 2 < nchunk)
        pltpu.async_copy(out_v[p], out_hbm.at[:, pl.ds(_roff(ci), _CH)], out_sem[p])
        if ci + 2 < nchunk:
            pltpu.async_copy(
                aux_hbm.at[:, pl.ds(_roff(ci + 2), _CH)], aux_v[p], in_sem[p]
            )
    for ci in range(max(0, nchunk - 2), nchunk):
        p = ci % 2
        pltpu.make_async_copy(
            out_v[p], out_hbm.at[:, pl.ds(_roff(ci), _CH)], out_sem[p]
        ).wait()


@functools.lru_cache(maxsize=None)
def _make_sc_topk(nrows):
    rpw = nrows // _NW

    @functools.partial(
        pl.kernel,
        out_type=jax.ShapeDtypeStruct((_E, nrows), jnp.float32),
        mesh=plsc.VectorSubcoreMesh(
            core_axis_name="c", subcore_axis_name="s", num_cores=_NC, num_subcores=_NS
        ),
        scratch_types=[
            pltpu.VMEM((8, _CH), jnp.float32),
            pltpu.VMEM((8, _CH), jnp.float32),
            pltpu.VMEM((_E, _CH), jnp.float32),
            pltpu.VMEM((_E, _CH), jnp.float32),
            pltpu.VMEM((2 * _G * 2 * _L,), jnp.int32),
            pltpu.SemaphoreType.DMA,
            pltpu.SemaphoreType.DMA,
            pltpu.SemaphoreType.DMA,
            pltpu.SemaphoreType.DMA,
        ],
        compiler_params=pltpu.CompilerParams(needs_layout_passes=False),
    )
    def _sc_topk(aux_hbm, out_hbm, lv0, lv1, ov0, ov1, stash_v, is0, is1, os0, os1):
        _topk_body(
            rpw, aux_hbm, out_hbm, (lv0, lv1), (ov0, ov1), stash_v, (is0, is1), (os0, os1)
        )

    return _sc_topk


_NSLICE = 1


def kernel(global_features, W1, b1, W2, b2):
    nrows = _N // _NSLICE
    sc_topk = _make_sc_topk(nrows)
    outs = []
    for s in range(_NSLICE):
        aux = _mlp_router(global_features, W1, b1, W2, b2, s * nrows, nrows)
        outs.append(sc_topk(aux))
    return jnp.concatenate(outs, axis=1).T

# --- scband reference (transcript-rebuilt; emitter-appended) ---
"""Pipeline reference for scband-molerouter-87411174408786 (READ-ONLY COPY).

The authoritative reference and input builder live on the scoring server;
editing this copy changes nothing except your own understanding.
"""

import jax, jax.numpy as jnp
import numpy as np

N, D, H, E, TOP_K = 32768, 768, 128, 64, 2

def setup_inputs(seed: int = 0) -> dict:
    key = jax.random.key(seed)
    k1, k2, k3 = jax.random.split(key, 3)
    global_features = jax.random.normal(k1, (N, D), dtype=jnp.float32)
    W1 = jax.random.normal(k2, (D, H), dtype=jnp.float32) * (1.0 / np.sqrt(D))
    b1 = jnp.zeros((H,), dtype=jnp.float32)
    W2 = jax.random.normal(k3, (H, E), dtype=jnp.float32) * (1.0 / np.sqrt(H))
    b2 = jnp.zeros((E,), dtype=jnp.float32)
    return {"global_features": global_features, "W1": W1, "b1": b1, "W2": W2, "b2": b2}

def reference(global_features, W1, b1, W2, b2):
    # nn.Sequential(Linear, SiLU, Linear)
    h = global_features @ W1 + b1
    h = h * jax.nn.sigmoid(h)  # SiLU
    logits = h @ W2 + b2
    # top-k masking branch (0 < top_k < num_experts)
    topk_logits, topk_idx = jax.lax.top_k(logits, TOP_K)
    masked = jnp.full_like(logits, -jnp.inf)
    rows = jnp.arange(logits.shape[0])[:, None]
    masked = masked.at[rows, topk_idx].set(topk_logits)
    coeffs = jax.nn.softmax(masked, axis=-1)
    return coeffs

if __name__ == "__main__":
    import jax
    _d = setup_inputs()
    print(jax.jit(kernel)(*tuple(_d.values())))

</pallas_src>

<mosaic_0001>
#map = affine_map<(d0, d1) -> (0, 0)>
module attributes {stable_mosaic.version = 14 : i64} {
  func.func @_sc_topk(%arg0: i32, %arg1: i32, %arg2: memref<8x32768xf32, #tpu.memory_space<hbm>>, %arg3: memref<64x32768xf32, #tpu.memory_space<hbm>>, %arg4: memref<8x128xf32, #tpu.memory_space<vmem>>, %arg5: memref<8x128xf32, #tpu.memory_space<vmem>>, %arg6: memref<64x128xf32, #tpu.memory_space<vmem>>, %arg7: memref<64x128xf32, #tpu.memory_space<vmem>>, %arg8: memref<512xi32, #tpu.memory_space<vmem>>, %arg9: memref<!tpu.dma_semaphore, #tpu.memory_space<semaphore_mem>>, %arg10: memref<!tpu.dma_semaphore, #tpu.memory_space<semaphore_mem>>, %arg11: memref<!tpu.dma_semaphore, #tpu.memory_space<semaphore_mem>>, %arg12: memref<!tpu.dma_semaphore, #tpu.memory_space<semaphore_mem>>) attributes {dimension_semantics = [#tpu.dimension_semantics<core_parallel>, #tpu.dimension_semantics<subcore_parallel>], iteration_bounds = array<i64: 2, 16>, scalar_prefetch = 0 : i64, scratch_operands = 9 : i64, tpu.core_type = #tpu.core_type<sc_vector_subcore>, window_params = [{transform_indices = #map}, {transform_indices = #map}]} {
    %mul3A = arith.constant 2 : i32
    %mul3A_0 = arith.muli %arg1, %mul3A : i32
    %add3A = arith.addi %mul3A_0, %arg0 : i32
    %iota3A = tpu.iota {dimensions = array<i32: 0>} : vector<16xi32>
    %broadcast_in_dim3A = arith.constant 0.000000e+00 : f32
    %broadcast_in_dim3A_1 = vector.broadcast %broadcast_in_dim3A : f32 to vector<16xf32>
    %scan3A = arith.constant 0 : i32
    %scan3A_2 = arith.constant 0 : i32
    %scan3A_3 = arith.constant 512 : i32
    %scan3A_4 = arith.addi %scan3A_2, %scan3A_3 : i32
    %scan3A_5 = arith.constant 1 : i32
    %scan3A_6 = scf.for %scan3A_327 = %scan3A_2 to %scan3A_4 step %scan3A_5 iter_args(%scan3A_328 = %scan3A) -> (i32)  : i32 {
      %jit3A = arith.constant 8 : i32
      %div3A = arith.divsi %scan3A_327, %jit3A : i32
      %sign3A = arith.constant 0 : i32
      %sign3A_329 = arith.cmpi sgt, %scan3A_327, %sign3A : i32
      %sign3A_330 = arith.extui %sign3A_329 : i1 to i32
      %sign3A_331 = arith.constant 0 : i32
      %sign3A_332 = arith.cmpi slt, %scan3A_327, %sign3A_331 : i32
      %sign3A_333 = arith.extui %sign3A_332 : i1 to i32
      %sign3A_334 = arith.subi %sign3A_330, %sign3A_333 : i32
      %sign3A_335 = arith.constant 0 : i32
      %sign3A_336 = arith.cmpi sgt, %jit3A, %sign3A_335 : i32
      %sign3A_337 = arith.extui %sign3A_336 : i1 to i32
      %sign3A_338 = arith.constant 0 : i32
      %sign3A_339 = arith.cmpi slt, %jit3A, %sign3A_338 : i32
      %sign3A_340 = arith.extui %sign3A_339 : i1 to i32
      %sign3A_341 = arith.subi %sign3A_337, %sign3A_340 : i32
      %ne3A = arith.cmpi ne, %sign3A_334, %sign3A_341 : i32
      %rem3A = arith.remsi %scan3A_327, %jit3A : i32
      %ne3A_342 = arith.constant 0 : i32
      %ne3A_343 = arith.cmpi ne, %rem3A, %ne3A_342 : i32
      %and3A = arith.andi %ne3A, %ne3A_343 : i1
      %sub3A = arith.constant 1 : i32
      %sub3A_344 = arith.subi %div3A, %sub3A : i32
      %select_n3A = arith.select %and3A, %sub3A_344, %div3A : i32
      %jit3A_345 = arith.constant 8 : i32
      %eq3A = arith.constant 0 : i32
      %eq3A_346 = arith.cmpi eq, %jit3A_345, %eq3A : i32
      %jit3A_347 = arith.constant 1 : i32
      %select_n3A_348 = arith.select %eq3A_346, %jit3A_347, %jit3A_345 : i32
      %rem3A_349 = arith.remsi %scan3A_327, %select_n3A_348 : i32
      %ne3A_350 = arith.constant 0 : i32
      %ne3A_351 = arith.cmpi ne, %rem3A_349, %ne3A_350 : i32
      %lt3A = arith.constant 0 : i32
      %lt3A_352 = arith.cmpi slt, %rem3A_349, %lt3A : i32
      %lt3A_353 = arith.constant 0 : i32
      %lt3A_354 = arith.cmpi slt, %select_n3A_348, %lt3A_353 : i32
      %ne3A_355 = arith.xori %lt3A_352, %lt3A_354 : i1
      %and3A_356 = arith.andi %ne3A_355, %ne3A_351 : i1
      %add3A_357 = arith.addi %rem3A_349, %select_n3A_348 : i32
      %select_n3A_358 = arith.select %and3A_356, %add3A_357, %rem3A_349 : i32
      %mul3A_359 = arith.constant 16 : i32
      %mul3A_360 = arith.muli %select_n3A_358, %mul3A_359 : i32
      %swap3A = arith.index_cast %select_n3A : i32 to index
      %swap3A_361 = arith.index_cast %mul3A_360 : i32 to index
      %swap3A_362 = tpu.vector_load %arg6[%swap3A, %swap3A_361] {strides = array<i32>} : memref<64x128xf32, #tpu.memory_space<vmem>>, vector<16xf32>,
      tpu.vector_store %arg6[%swap3A, %swap3A_361], %broadcast_in_dim3A_1 {strides = array<i32>} : memref<64x128xf32, #tpu.memory_space<vmem>>, vector<16xf32>,
      %jit3A_363 = arith.constant 8 : i32
      %div3A_364 = arith.divsi %scan3A_327, %jit3A_363 : i32
      %sign3A_365 = arith.constant 0 : i32
      %sign3A_366 = arith.cmpi sgt, %scan3A_327, %sign3A_365 : i32
      %sign3A_367 = arith.extui %sign3A_366 : i1 to i32
      %sign3A_368 = arith.constant 0 : i32
      %sign3A_369 = arith.cmpi slt, %scan3A_327, %sign3A_368 : i32
      %sign3A_370 = arith.extui %sign3A_369 : i1 to i32
      %sign3A_371 = arith.subi %sign3A_367, %sign3A_370 : i32
      %sign3A_372 = arith.constant 0 : i32
      %sign3A_373 = arith.cmpi sgt, %jit3A_363, %sign3A_372 : i32
      %sign3A_374 = arith.extui %sign3A_373 : i1 to i32
      %sign3A_375 = arith.constant 0 : i32
      %sign3A_376 = arith.cmpi slt, %jit3A_363, %sign3A_375 : i32
      %sign3A_377 = arith.extui %sign3A_376 : i1 to i32
      %sign3A_378 = arith.subi %sign3A_374, %sign3A_377 : i32
      %ne3A_379 = arith.cmpi ne, %sign3A_371, %sign3A_378 : i32
      %rem3A_380 = arith.remsi %scan3A_327, %jit3A_363 : i32
      %ne3A_381 = arith.constant 0 : i32
      %ne3A_382 = arith.cmpi ne, %rem3A_380, %ne3A_381 : i32
      %and3A_383 = arith.andi %ne3A_379, %ne3A_382 : i1
      %sub3A_384 = arith.constant 1 : i32
      %sub3A_385 = arith.subi %div3A_364, %sub3A_384 : i32
      %select_n3A_386 = arith.select %and3A_383, %sub3A_385, %div3A_364 : i32
      %jit3A_387 = arith.constant 8 : i32
      %eq3A_388 = arith.constant 0 : i32
      %eq3A_389 = arith.cmpi eq, %jit3A_387, %eq3A_388 : i32
      %jit3A_390 = arith.constant 1 : i32
      %select_n3A_391 = arith.select %eq3A_389, %jit3A_390, %jit3A_387 : i32
      %rem3A_392 = arith.remsi %scan3A_327, %select_n3A_391 : i32
      %ne3A_393 = arith.constant 0 : i32
      %ne3A_394 = arith.cmpi ne, %rem3A_392, %ne3A_393 : i32
      %lt3A_395 = arith.constant 0 : i32
      %lt3A_396 = arith.cmpi slt, %rem3A_392, %lt3A_395 : i32
      %lt3A_397 = arith.constant 0 : i32
      %lt3A_398 = arith.cmpi slt, %select_n3A_391, %lt3A_397 : i32
      %ne3A_399 = arith.xori %lt3A_396, %lt3A_398 : i1
      %and3A_400 = arith.andi %ne3A_399, %ne3A_394 : i1
      %add3A_401 = arith.addi %rem3A_392, %select_n3A_391 : i32
      %select_n3A_402 = arith.select %and3A_400, %add3A_401, %rem3A_392 : i32
      %mul3A_403 = arith.constant 16 : i32
      %mul3A_404 = arith.muli %select_n3A_402, %mul3A_403 : i32
      %swap3A_405 = arith.index_cast %select_n3A_386 : i32 to index
      %swap3A_406 = arith.index_cast %mul3A_404 : i32 to index
      %swap3A_407 = tpu.vector_load %arg7[%swap3A_405, %swap3A_406] {strides = array<i32>} : memref<64x128xf32, #tpu.memory_space<vmem>>, vector<16xf32>,
      tpu.vector_store %arg7[%swap3A_405, %swap3A_406], %broadcast_in_dim3A_1 {strides = array<i32>} : memref<64x128xf32, #tpu.memory_space<vmem>>, vector<16xf32>,
      %scan3A_408 = arith.constant 0 : i32
      scf.yield %scan3A_408 : i32
    }
    %scan3A_7 = arith.constant 512 : i32
    %mul3A_8 = arith.constant 1024 : i32
    %mul3A_9 = arith.muli %add3A, %mul3A_8 : i32
    %add3A_10 = arith.constant 0 : i32
    %add3A_11 = arith.addi %mul3A_9, %add3A_10 : i32
    %dma_start3A = arith.constant 0 : i32
    %dma_start3A_12 = tpu.memref_slice %arg2[%dma_start3A, %add3A_11] : memref<8x32768xf32, #tpu.memory_space<hbm>> -> memref<8x128xf32, #tpu.memory_space<hbm>>
    %dma_start3A_13 = arith.constant 0 : i32
    %dma_start3A_14 = tpu.memref_slice %arg2[%dma_start3A_13, %add3A_11] : memref<8x32768xf32, #tpu.memory_space<hbm>> -> memref<8x128xf32, #tpu.memory_space<hbm>>
    tpu.enqueue_dma source(%dma_start3A_14 : memref<8x128xf32, #tpu.memory_space<hbm>>) target(%arg4 : memref<8x128xf32, #tpu.memory_space<vmem>>) target_semaphore(%arg9 : memref<!tpu.dma_semaphore, #tpu.memory_space<semaphore_mem>>)
    %mul3A_15 = arith.constant 1024 : i32
    %mul3A_16 = arith.muli %add3A, %mul3A_15 : i32
    %add3A_17 = arith.constant 128 : i32
    %add3A_18 = arith.addi %mul3A_16, %add3A_17 : i32
    %dma_start3A_19 = arith.constant 0 : i32
    %dma_start3A_20 = tpu.memref_slice %arg2[%dma_start3A_19, %add3A_18] : memref<8x32768xf32, #tpu.memory_space<hbm>> -> memref<8x128xf32, #tpu.memory_space<hbm>>
    %dma_start3A_21 = arith.constant 0 : i32
    %dma_start3A_22 = tpu.memref_slice %arg2[%dma_start3A_21, %add3A_18] : memref<8x32768xf32, #tpu.memory_space<hbm>> -> memref<8x128xf32, #tpu.memory_space<hbm>>
    tpu.enqueue_dma source(%dma_start3A_22 : memref<8x128xf32, #tpu.memory_space<hbm>>) target(%arg5 : memref<8x128xf32, #tpu.memory_space<vmem>>) target_semaphore(%arg10 : memref<!tpu.dma_semaphore, #tpu.memory_space<semaphore_mem>>)
    %mul3A_23 = arith.constant 1024 : i32
    %mul3A_24 = arith.muli %add3A, %mul3A_23 : i32
    %add3A_25 = arith.constant 0 : i32
    %add3A_26 = arith.addi %mul3A_24, %add3A_25 : i32
    %dma_wait3A = arith.constant 0 : i32
    %dma_wait3A_27 = tpu.memref_slice %arg2[%dma_wait3A, %add3A_26] : memref<8x32768xf32, #tpu.memory_space<hbm>> -> memref<8x128xf32, #tpu.memory_space<hbm>>
    %dma_wait3A_28 = arith.constant 0 : i32
    %dma_wait3A_29 = tpu.memref_slice %arg2[%dma_wait3A_28, %add3A_26] : memref<8x32768xf32, #tpu.memory_space<hbm>> -> memref<8x128xf32, #tpu.memory_space<hbm>>
    tpu.wait_dma2 semaphore(%arg9 : memref<!tpu.dma_semaphore, #tpu.memory_space<semaphore_mem>>) src(%dma_wait3A_29 : memref<8x128xf32, #tpu.memory_space<hbm>>) dst(%arg4 : memref<8x128xf32, #tpu.memory_space<vmem>>)
    %parallel_loop3A = arith.constant 0 : i32
    %parallel_loop3A_30 = arith.constant 8 : i32
    %parallel_loop3A_31 = arith.constant 1 : i32
    scf.for %parallel_loop3A_327 = %parallel_loop3A to %parallel_loop3A_30 step %parallel_loop3A_31  : i32 {
      %parallel_loop3A_328 = arith.constant 16 : i32
      %parallel_loop3A_329 = arith.muli %parallel_loop3A_327, %parallel_loop3A_328 : i32
      %parallel_loop3A_330 = vector.broadcast %parallel_loop3A_329 : i32 to vector<16xi32>
      %parallel_loop3A_331 = arith.addi %parallel_loop3A_330, %iota3A : vector<16xi32>
      %parallel_loop3A_332 = arith.constant 0 : i32
      %parallel_loop3A_333 = arith.index_cast %parallel_loop3A_332 : i32 to index
      %parallel_loop3A_334 = arith.index_cast %parallel_loop3A_329 : i32 to index
      %parallel_loop3A_335 = tpu.vector_load %arg4[%parallel_loop3A_333, %parallel_loop3A_334] {strides = array<i32>} : memref<8x128xf32, #tpu.memory_space<vmem>>, vector<16xf32>,
      %parallel_loop3A_336 = arith.constant 1 : i32
      %parallel_loop3A_337 = arith.index_cast %parallel_loop3A_336 : i32 to index
      %parallel_loop3A_338 = arith.index_cast %parallel_loop3A_329 : i32 to index
      %parallel_loop3A_339 = tpu.vector_load %arg4[%parallel_loop3A_337, %parallel_loop3A_338] {strides = array<i32>} : memref<8x128xf32, #tpu.memory_space<vmem>>, vector<16xf32>,
      %parallel_loop3A_340 = arith.constant 2 : i32
      %parallel_loop3A_341 = arith.index_cast %parallel_loop3A_340 : i32 to index
      %parallel_loop3A_342 = arith.index_cast %parallel_loop3A_329 : i32 to index
      %parallel_loop3A_343 = tpu.vector_load %arg4[%parallel_loop3A_341, %parallel_loop3A_342] {strides = array<i32>} : memref<8x128xf32, #tpu.memory_space<vmem>>, vector<16xf32>,
      %parallel_loop3A_344 = arith.fptosi %parallel_loop3A_343 : vector<16xf32> to vector<16xi32>
      %parallel_loop3A_345 = arith.constant 3 : i32
      %parallel_loop3A_346 = arith.index_cast %parallel_loop3A_345 : i32 to index
      %parallel_loop3A_347 = arith.index_cast %parallel_loop3A_329 : i32 to index
      %parallel_loop3A_348 = tpu.vector_load %arg4[%parallel_loop3A_346, %parallel_loop3A_347] {strides = array<i32>} : memref<8x128xf32, #tpu.memory_space<vmem>>, vector<16xf32>,
      %parallel_loop3A_349 = arith.fptosi %parallel_loop3A_348 : vector<16xf32> to vector<16xi32>
      tpu.vector_store_idx %arg6[%parallel_loop3A_344, %parallel_loop3A_331], %parallel_loop3A_335 : memref<64x128xf32, #tpu.memory_space<vmem>>[vector<16xi32>, vector<16xi32>], vector<16xf32>,
      tpu.vector_store_idx %arg6[%parallel_loop3A_349, %parallel_loop3A_331], %parallel_loop3A_339 : memref<64x128xf32, #tpu.memory_space<vmem>>[vector<16xi32>, vector<16xi32>], vector<16xf32>,
      %parallel_loop3A_350 = arith.constant 0 : i32
      %parallel_loop3A_351 = arith.addi %parallel_loop3A_350, %parallel_loop3A_327 : i32
      %parallel_loop3A_352 = arith.constant 2 : i32
      %parallel_loop3A_353 = arith.muli %parallel_loop3A_351, %parallel_loop3A_352 : i32
      %parallel_loop3A_354 = arith.constant 16 : i32
      %parallel_loop3A_355 = arith.muli %parallel_loop3A_353, %parallel_loop3A_354 : i32
      %parallel_loop3A_356 = arith.index_cast %parallel_loop3A_355 : i32 to index
      %parallel_loop3A_357 = tpu.vector_load %arg8[%parallel_loop3A_356] {strides = array<i32>} : memref<512xi32, #tpu.memory_space<vmem>>, vector<16xi32>,
      tpu.vector_store %arg8[%parallel_loop3A_356], %parallel_loop3A_344 {strides = array<i32>} : memref<512xi32, #tpu.memory_space<vmem>>, vector<16xi32>,
      %parallel_loop3A_358 = arith.constant 0 : i32
      %parallel_loop3A_359 = arith.addi %parallel_loop3A_358, %parallel_loop3A_327 : i32
      %parallel_loop3A_360 = arith.constant 2 : i32
      %parallel_loop3A_361 = arith.muli %parallel_loop3A_359, %parallel_loop3A_360 : i32
      %parallel_loop3A_362 = arith.constant 16 : i32
      %parallel_loop3A_363 = arith.muli %parallel_loop3A_361, %parallel_loop3A_362 : i32
      %parallel_loop3A_364 = arith.constant 16 : i32
      %parallel_loop3A_365 = arith.addi %parallel_loop3A_363, %parallel_loop3A_364 : i32
      %parallel_loop3A_366 = arith.index_cast %parallel_loop3A_365 : i32 to index
      %parallel_loop3A_367 = tpu.vector_load %arg8[%parallel_loop3A_366] {strides = array<i32>} : memref<512xi32, #tpu.memory_space<vmem>>, vector<16xi32>,
      tpu.vector_store %arg8[%parallel_loop3A_366], %parallel_loop3A_349 {strides = array<i32>} : memref<512xi32, #tpu.memory_space<vmem>>, vector<16xi32>,
    } {sc.loop_unroll_factor = 4 : i64, sc.parallel_access}
    %mul3A_32 = arith.constant 1024 : i32
    %mul3A_33 = arith.muli %add3A, %mul3A_32 : i32
    %add3A_34 = arith.constant 0 : i32
    %add3A_35 = arith.addi %mul3A_33, %add3A_34 : i32
    %dma_start3A_36 = arith.constant 0 : i32
    %dma_start3A_37 = tpu.memref_slice %arg3[%dma_start3A_36, %add3A_35] : memref<64x32768xf32, #tpu.memory_space<hbm>> -> memref<64x128xf32, #tpu.memory_space<hbm>>
    %dma_start3A_38 = arith.constant 0 : i32
    %dma_start3A_39 = tpu.memref_slice %arg3[%dma_start3A_38, %add3A_35] : memref<64x32768xf32, #tpu.memory_space<hbm>> -> memref<64x128xf32, #tpu.memory_space<hbm>>
    tpu.enqueue_dma source(%arg6 : memref<64x128xf32, #tpu.memory_space<vmem>>) target(%dma_start3A_39 : memref<64x128xf32, #tpu.memory_space<hbm>>) target_semaphore(%arg11 : memref<!tpu.dma_semaphore, #tpu.memory_space<semaphore_mem>>)
    %mul3A_40 = arith.constant 1024 : i32
    %mul3A_41 = arith.muli %add3A, %mul3A_40 : i32
    %add3A_42 = arith.constant 256 : i32
    %add3A_43 = arith.addi %mul3A_41, %add3A_42 : i32
    %dma_start3A_44 = arith.constant 0 : i32
    %dma_start3A_45 = tpu.memref_slice %arg2[%dma_start3A_44, %add3A_43] : memref<8x32768xf32, #tpu.memory_space<hbm>> -> memref<8x128xf32, #tpu.memory_space<hbm>>
    %dma_start3A_46 = arith.constant 0 : i32
    %dma_start3A_47 = tpu.memref_slice %arg2[%dma_start3A_46, %add3A_43] : memref<8x32768xf32, #tpu.memory_space<hbm>> -> memref<8x128xf32, #tpu.memory_space<hbm>>
    tpu.enqueue_dma source(%dma_start3A_47 : memref<8x128xf32, #tpu.memory_space<hbm>>) target(%arg4 : memref<8x128xf32, #tpu.memory_space<vmem>>) target_semaphore(%arg9 : memref<!tpu.dma_semaphore, #tpu.memory_space<semaphore_mem>>)
    %mul3A_48 = arith.constant 1024 : i32
    %mul3A_49 = arith.muli %add3A, %mul3A_48 : i32
    %add3A_50 = arith.constant 128 : i32
    %add3A_51 = arith.addi %mul3A_49, %add3A_50 : i32
    %dma_wait3A_52 = arith.constant 0 : i32
    %dma_wait3A_53 = tpu.memref_slice %arg2[%dma_wait3A_52, %add3A_51] : memref<8x32768xf32, #tpu.memory_space<hbm>> -> memref<8x128xf32, #tpu.memory_space<hbm>>
    %dma_wait3A_54 = arith.constant 0 : i32
    %dma_wait3A_55 = tpu.memref_slice %arg2[%dma_wait3A_54, %add3A_51] : memref<8x32768xf32, #tpu.memory_space<hbm>> -> memref<8x128xf32, #tpu.memory_space<hbm>>
    tpu.wait_dma2 semaphore(%arg10 : memref<!tpu.dma_semaphore, #tpu.memory_space<semaphore_mem>>) src(%dma_wait3A_55 : memref<8x128xf32, #tpu.memory_space<hbm>>) dst(%arg5 : memref<8x128xf32, #tpu.memory_space<vmem>>)
    %parallel_loop3A_56 = arith.constant 0 : i32
    %parallel_loop3A_57 = arith.constant 8 : i32
    %parallel_loop3A_58 = arith.constant 1 : i32
    scf.for %parallel_loop3A_327 = %parallel_loop3A_56 to %parallel_loop3A_57 step %parallel_loop3A_58  : i32 {
      %parallel_loop3A_328 = arith.constant 16 : i32
      %parallel_loop3A_329 = arith.muli %parallel_loop3A_327, %parallel_loop3A_328 : i32
      %parallel_loop3A_330 = vector.broadcast %parallel_loop3A_329 : i32 to vector<16xi32>
      %parallel_loop3A_331 = arith.addi %parallel_loop3A_330, %iota3A : vector<16xi32>
      %parallel_loop3A_332 = arith.constant 0 : i32
      %parallel_loop3A_333 = arith.index_cast %parallel_loop3A_332 : i32 to index
      %parallel_loop3A_334 = arith.index_cast %parallel_loop3A_329 : i32 to index
      %parallel_loop3A_335 = tpu.vector_load %arg5[%parallel_loop3A_333, %parallel_loop3A_334] {strides = array<i32>} : memref<8x128xf32, #tpu.memory_space<vmem>>, vector<16xf32>,
      %parallel_loop3A_336 = arith.constant 1 : i32
      %parallel_loop3A_337 = arith.index_cast %parallel_loop3A_336 : i32 to index
      %parallel_loop3A_338 = arith.index_cast %parallel_loop3A_329 : i32 to index
      %parallel_loop3A_339 = tpu.vector_load %arg5[%parallel_loop3A_337, %parallel_loop3A_338] {strides = array<i32>} : memref<8x128xf32, #tpu.memory_space<vmem>>, vector<16xf32>,
      %parallel_loop3A_340 = arith.constant 2 : i32
      %parallel_loop3A_341 = arith.index_cast %parallel_loop3A_340 : i32 to index
      %parallel_loop3A_342 = arith.index_cast %parallel_loop3A_329 : i32 to index
      %parallel_loop3A_343 = tpu.vector_load %arg5[%parallel_loop3A_341, %parallel_loop3A_342] {strides = array<i32>} : memref<8x128xf32, #tpu.memory_space<vmem>>, vector<16xf32>,
      %parallel_loop3A_344 = arith.fptosi %parallel_loop3A_343 : vector<16xf32> to vector<16xi32>
      %parallel_loop3A_345 = arith.constant 3 : i32
      %parallel_loop3A_346 = arith.index_cast %parallel_loop3A_345 : i32 to index
      %parallel_loop3A_347 = arith.index_cast %parallel_loop3A_329 : i32 to index
      %parallel_loop3A_348 = tpu.vector_load %arg5[%parallel_loop3A_346, %parallel_loop3A_347] {strides = array<i32>} : memref<8x128xf32, #tpu.memory_space<vmem>>, vector<16xf32>,
      %parallel_loop3A_349 = arith.fptosi %parallel_loop3A_348 : vector<16xf32> to vector<16xi32>
      tpu.vector_store_idx %arg7[%parallel_loop3A_344, %parallel_loop3A_331], %parallel_loop3A_335 : memref<64x128xf32, #tpu.memory_space<vmem>>[vector<16xi32>, vector<16xi32>], vector<16xf32>,
      tpu.vector_store_idx %arg7[%parallel_loop3A_349, %parallel_loop3A_331], %parallel_loop3A_339 : memref<64x128xf32, #tpu.memory_space<vmem>>[vector<16xi32>, vector<16xi32>], vector<16xf32>,
      %parallel_loop3A_350 = arith.constant 8 : i32
      %parallel_loop3A_351 = arith.addi %parallel_loop3A_350, %parallel_loop3A_327 : i32
      %parallel_loop3A_352 = arith.constant 2 : i32
      %parallel_loop3A_353 = arith.muli %parallel_loop3A_351, %parallel_loop3A_352 : i32
      %parallel_loop3A_354 = arith.constant 16 : i32
      %parallel_loop3A_355 = arith.muli %parallel_loop3A_353, %parallel_loop3A_354 : i32
      %parallel_loop3A_356 = arith.index_cast %parallel_loop3A_355 : i32 to index
      %parallel_loop3A_357 = tpu.vector_load %arg8[%parallel_loop3A_356] {strides = array<i32>} : memref<512xi32, #tpu.memory_space<vmem>>, vector<16xi32>,
      tpu.vector_store %arg8[%parallel_loop3A_356], %parallel_loop3A_344 {strides = array<i32>} : memref<512xi32, #tpu.memory_space<vmem>>, vector<16xi32>,
      %parallel_loop3A_358 = arith.constant 8 : i32
      %parallel_loop3A_359 = arith.addi %parallel_loop3A_358, %parallel_loop3A_327 : i32
      %parallel_loop3A_360 = arith.constant 2 : i32
      %parallel_loop3A_361 = arith.muli %parallel_loop3A_359, %parallel_loop3A_360 : i32
      %parallel_loop3A_362 = arith.constant 16 : i32
      %parallel_loop3A_363 = arith.muli %parallel_loop3A_361, %parallel_loop3A_362 : i32
      %parallel_loop3A_364 = arith.constant 16 : i32
      %parallel_loop3A_365 = arith.addi %parallel_loop3A_363, %parallel_loop3A_364 : i32
      %parallel_loop3A_366 = arith.index_cast %parallel_loop3A_365 : i32 to index
      %parallel_loop3A_367 = tpu.vector_load %arg8[%parallel_loop3A_366] {strides = array<i32>} : memref<512xi32, #tpu.memory_space<vmem>>, vector<16xi32>,
      tpu.vector_store %arg8[%parallel_loop3A_366], %parallel_loop3A_349 {strides = array<i32>} : memref<512xi32, #tpu.memory_space<vmem>>, vector<16xi32>,
    } {sc.loop_unroll_factor = 4 : i64, sc.parallel_access}
    %mul3A_59 = arith.constant 1024 : i32
    %mul3A_60 = arith.muli %add3A, %mul3A_59 : i32
    %add3A_61 = arith.constant 128 : i32
    %add3A_62 = arith.addi %mul3A_60, %add3A_61 : i32
    %dma_start3A_63 = arith.constant 0 : i32
    %dma_start3A_64 = tpu.memref_slice %arg3[%dma_start3A_63, %add3A_62] : memref<64x32768xf32, #tpu.memory_space<hbm>> -> memref<64x128xf32, #tpu.memory_space<hbm>>
    %dma_start3A_65 = arith.constant 0 : i32
    %dma_start3A_66 = tpu.memref_slice %arg3[%dma_start3A_65, %add3A_62] : memref<64x32768xf32, #tpu.memory_space<hbm>> -> memref<64x128xf32, #tpu.memory_space<hbm>>
    tpu.enqueue_dma source(%arg7 : memref<64x128xf32, #tpu.memory_space<vmem>>) target(%dma_start3A_66 : memref<64x128xf32, #tpu.memory_space<hbm>>) target_semaphore(%arg12 : memref<!tpu.dma_semaphore, #tpu.memory_space<semaphore_mem>>)
    %mul3A_67 = arith.constant 1024 : i32
    %mul3A_68 = arith.muli %add3A, %mul3A_67 : i32
    %add3A_69 = arith.constant 384 : i32
    %add3A_70 = arith.addi %mul3A_68, %add3A_69 : i32
    %dma_start3A_71 = arith.constant 0 : i32
    %dma_start3A_72 = tpu.memref_slice %arg2[%dma_start3A_71, %add3A_70] : memref<8x32768xf32, #tpu.memory_space<hbm>> -> memref<8x128xf32, #tpu.memory_space<hbm>>
    %dma_start3A_73 = arith.constant 0 : i32
    %dma_start3A_74 = tpu.memref_slice %arg2[%dma_start3A_73, %add3A_70] : memref<8x32768xf32, #tpu.memory_space<hbm>> -> memref<8x128xf32, #tpu.memory_space<hbm>>
    tpu.enqueue_dma source(%dma_start3A_74 : memref<8x128xf32, #tpu.memory_space<hbm>>) target(%arg5 : memref<8x128xf32, #tpu.memory_space<vmem>>) target_semaphore(%arg10 : memref<!tpu.dma_semaphore, #tpu.memory_space<semaphore_mem>>)
    %mul3A_75 = arith.constant 1024 : i32
    %mul3A_76 = arith.muli %add3A, %mul3A_75 : i32
    %add3A_77 = arith.constant 256 : i32
    %add3A_78 = arith.addi %mul3A_76, %add3A_77 : i32
    %dma_wait3A_79 = arith.constant 0 : i32
    %dma_wait3A_80 = tpu.memref_slice %arg2[%dma_wait3A_79, %add3A_78] : memref<8x32768xf32, #tpu.memory_space<hbm>> -> memref<8x128xf32, #tpu.memory_space<hbm>>
    %dma_wait3A_81 = arith.constant 0 : i32
    %dma_wait3A_82 = tpu.memref_slice %arg2[%dma_wait3A_81, %add3A_78] : memref<8x32768xf32, #tpu.memory_space<hbm>> -> memref<8x128xf32, #tpu.memory_space<hbm>>
    tpu.wait_dma2 semaphore(%arg9 : memref<!tpu.dma_semaphore, #tpu.memory_space<semaphore_mem>>) src(%dma_wait3A_82 : memref<8x128xf32, #tpu.memory_space<hbm>>) dst(%arg4 : memref<8x128xf32, #tpu.memory_space<vmem>>)
    %mul3A_83 = arith.constant 1024 : i32
    %mul3A_84 = arith.muli %add3A, %mul3A_83 : i32
    %add3A_85 = arith.constant 0 : i32
    %add3A_86 = arith.addi %mul3A_84, %add3A_85 : i32
    %dma_wait3A_87 = arith.constant 0 : i32
    %dma_wait3A_88 = tpu.memref_slice %arg3[%dma_wait3A_87, %add3A_86] : memref<64x32768xf32, #tpu.memory_space<hbm>> -> memref<64x128xf32, #tpu.memory_space<hbm>>
    %dma_wait3A_89 = arith.constant 0 : i32
    %dma_wait3A_90 = tpu.memref_slice %arg3[%dma_wait3A_89, %add3A_86] : memref<64x32768xf32, #tpu.memory_space<hbm>> -> memref<64x128xf32, #tpu.memory_space<hbm>>
    tpu.wait_dma2 semaphore(%arg11 : memref<!tpu.dma_semaphore, #tpu.memory_space<semaphore_mem>>) src(%arg6 : memref<64x128xf32, #tpu.memory_space<vmem>>) dst(%dma_wait3A_90 : memref<64x128xf32, #tpu.memory_space<hbm>>)
    %scan3A_91 = arith.constant 0 : i32
    %scan3A_92 = arith.constant 0 : i32
    %scan3A_93 = arith.constant 8 : i32
    %scan3A_94 = arith.addi %scan3A_92, %scan3A_93 : i32
    %scan3A_95 = arith.constant 1 : i32
    %scan3A_96 = scf.for %scan3A_327 = %scan3A_92 to %scan3A_94 step %scan3A_95 iter_args(%scan3A_328 = %scan3A_91) -> (i32)  : i32 {
      %mul3A_329 = arith.constant 16 : i32
      %mul3A_330 = arith.muli %scan3A_327, %mul3A_329 : i32
      %add3A_331 = vector.broadcast %mul3A_330 : i32 to vector<16xi32>
      %add3A_332 = arith.addi %add3A_331, %iota3A : vector<16xi32>
      %add3A_333 = arith.constant 0 : i32
      %add3A_334 = arith.addi %add3A_333, %scan3A_327 : i32
      %mul3A_335 = arith.constant 2 : i32
      %mul3A_336 = arith.muli %add3A_334, %mul3A_335 : i32
      %mul3A_337 = arith.constant 16 : i32
      %mul3A_338 = arith.muli %mul3A_336, %mul3A_337 : i32
      %add3A_339 = arith.constant 0 : i32
      %add3A_340 = arith.addi %add3A_339, %scan3A_327 : i32
      %mul3A_341 = arith.constant 2 : i32
      %mul3A_342 = arith.muli %add3A_340, %mul3A_341 : i32
      %mul3A_343 = arith.constant 16 : i32
      %mul3A_344 = arith.muli %mul3A_342, %mul3A_343 : i32
      %add3A_345 = arith.constant 16 : i32
      %add3A_346 = arith.addi %mul3A_344, %add3A_345 : i32
      %get3A = arith.index_cast %mul3A_338 : i32 to index
      %get3A_347 = tpu.vector_load %arg8[%get3A] {strides = array<i32>} : memref<512xi32, #tpu.memory_space<vmem>>, vector<16xi32>,
      tpu.vector_store_idx %arg6[%get3A_347, %add3A_332], %broadcast_in_dim3A_1 : memref<64x128xf32, #tpu.memory_space<vmem>>[vector<16xi32>, vector<16xi32>], vector<16xf32>,
      %get3A_348 = arith.index_cast %add3A_346 : i32 to index
      %get3A_349 = tpu.vector_load %arg8[%get3A_348] {strides = array<i32>} : memref<512xi32, #tpu.memory_space<vmem>>, vector<16xi32>,
      tpu.vector_store_idx %arg6[%get3A_349, %add3A_332], %broadcast_in_dim3A_1 : memref<64x128xf32, #tpu.memory_space<vmem>>[vector<16xi32>, vector<16xi32>], vector<16xf32>,
      %scan3A_350 = arith.constant 0 : i32
      scf.yield %scan3A_350 : i32
    }
    %scan3A_97 = arith.constant 8 : i32
    %parallel_loop3A_98 = arith.constant 0 : i32
    %parallel_loop3A_99 = arith.constant 8 : i32
    %parallel_loop3A_100 = arith.constant 1 : i32
    scf.for %parallel_loop3A_327 = %parallel_loop3A_98 to %parallel_loop3A_99 step %parallel_loop3A_100  : i32 {
      %parallel_loop3A_328 = arith.constant 16 : i32
      %parallel_loop3A_329 = arith.muli %parallel_loop3A_327, %parallel_loop3A_328 : i32
      %parallel_loop3A_330 = vector.broadcast %parallel_loop3A_329 : i32 to vector<16xi32>
      %parallel_loop3A_331 = arith.addi %parallel_loop3A_330, %iota3A : vector<16xi32>
      %parallel_loop3A_332 = arith.constant 0 : i32
      %parallel_loop3A_333 = arith.index_cast %parallel_loop3A_332 : i32 to index
      %parallel_loop3A_334 = arith.index_cast %parallel_loop3A_329 : i32 to index
      %parallel_loop3A_335 = tpu.vector_load %arg4[%parallel_loop3A_333, %parallel_loop3A_334] {strides = array<i32>} : memref<8x128xf32, #tpu.memory_space<vmem>>, vector<16xf32>,
      %parallel_loop3A_336 = arith.constant 1 : i32
      %parallel_loop3A_337 = arith.index_cast %parallel_loop3A_336 : i32 to index
      %parallel_loop3A_338 = arith.index_cast %parallel_loop3A_329 : i32 to index
      %parallel_loop3A_339 = tpu.vector_load %arg4[%parallel_loop3A_337, %parallel_loop3A_338] {strides = array<i32>} : memref<8x128xf32, #tpu.memory_space<vmem>>, vector<16xf32>,
      %parallel_loop3A_340 = arith.constant 2 : i32
      %parallel_loop3A_341 = arith.index_cast %parallel_loop3A_340 : i32 to index
      %parallel_loop3A_342 = arith.index_cast %parallel_loop3A_329 : i32 to index
      %parallel_loop3A_343 = tpu.vector_load %arg4[%parallel_loop3A_341, %parallel_loop3A_342] {strides = array<i32>} : memref<8x128xf32, #tpu.memory_space<vmem>>, vector<16xf32>,
      %parallel_loop3A_344 = arith.fptosi %parallel_loop3A_343 : vector<16xf32> to vector<16xi32>
      %parallel_loop3A_345 = arith.constant 3 : i32
      %parallel_loop3A_346 = arith.index_cast %parallel_loop3A_345 : i32 to index
      %parallel_loop3A_347 = arith.index_cast %parallel_loop3A_329 : i32 to index
      %parallel_loop3A_348 = tpu.vector_load %arg4[%parallel_loop3A_346, %parallel_loop3A_347] {strides = array<i32>} : memref<8x128xf32, #tpu.memory_space<vmem>>, vector<16xf32>,
      %parallel_loop3A_349 = arith.fptosi %parallel_loop3A_348 : vector<16xf32> to vector<16xi32>
      tpu.vector_store_idx %arg6[%parallel_loop3A_344, %parallel_loop3A_331], %parallel_loop3A_335 : memref<64x128xf32, #tpu.memory_space<vmem>>[vector<16xi32>, vector<16xi32>], vector<16xf32>,
      tpu.vector_store_idx %arg6[%parallel_loop3A_349, %parallel_loop3A_331], %parallel_loop3A_339 : memref<64x128xf32, #tpu.memory_space<vmem>>[vector<16xi32>, vector<16xi32>], vector<16xf32>,
      %parallel_loop3A_350 = arith.constant 0 : i32
      %parallel_loop3A_351 = arith.addi %parallel_loop3A_350, %parallel_loop3A_327 : i32
      %parallel_loop3A_352 = arith.constant 2 : i32
      %parallel_loop3A_353 = arith.muli %parallel_loop3A_351, %parallel_loop3A_352 : i32
      %parallel_loop3A_354 = arith.constant 16 : i32
      %parallel_loop3A_355 = arith.muli %parallel_loop3A_353, %parallel_loop3A_354 : i32
      %parallel_loop3A_356 = arith.index_cast %parallel_loop3A_355 : i32 to index
      %parallel_loop3A_357 = tpu.vector_load %arg8[%parallel_loop3A_356] {strides = array<i32>} : memref<512xi32, #tpu.memory_space<vmem>>, vector<16xi32>,
      tpu.vector_store %arg8[%parallel_loop3A_356], %parallel_loop3A_344 {strides = array<i32>} : memref<512xi32, #tpu.memory_space<vmem>>, vector<16xi32>,
      %parallel_loop3A_358 = arith.constant 0 : i32
      %parallel_loop3A_359 = arith.addi %parallel_loop3A_358, %parallel_loop3A_327 : i32
      %parallel_loop3A_360 = arith.constant 2 : i32
      %parallel_loop3A_361 = arith.muli %parallel_loop3A_359, %parallel_loop3A_360 : i32
      %parallel_loop3A_362 = arith.constant 16 : i32
      %parallel_loop3A_363 = arith.muli %parallel_loop3A_361, %parallel_loop3A_362 : i32
      %parallel_loop3A_364 = arith.constant 16 : i32
      %parallel_loop3A_365 = arith.addi %parallel_loop3A_363, %parallel_loop3A_364 : i32
      %parallel_loop3A_366 = arith.index_cast %parallel_loop3A_365 : i32 to index
      %parallel_loop3A_367 = tpu.vector_load %arg8[%parallel_loop3A_366] {strides = array<i32>} : memref<512xi32, #tpu.memory_space<vmem>>, vector<16xi32>,
      tpu.vector_store %arg8[%parallel_loop3A_366], %parallel_loop3A_349 {strides = array<i32>} : memref<512xi32, #tpu.memory_space<vmem>>, vector<16xi32>,
    } {sc.loop_unroll_factor = 4 : i64, sc.parallel_access}
    %mul3A_101 = arith.constant 1024 : i32
    %mul3A_102 = arith.muli %add3A, %mul3A_101 : i32
    %add3A_103 = arith.constant 256 : i32
    %add3A_104 = arith.addi %mul3A_102, %add3A_103 : i32
    %dma_start3A_105 = arith.constant 0 : i32
    %dma_start3A_106 = tpu.memref_slice %arg3[%dma_start3A_105, %add3A_104] : memref<64x32768xf32, #tpu.memory_space<hbm>> -> memref<64x128xf32, #tpu.memory_space<hbm>>
    %dma_start3A_107 = arith.constant 0 : i32
    %dma_start3A_108 = tpu.memref_slice %arg3[%dma_start3A_107, %add3A_104] : memref<64x32768xf32, #tpu.memory_space<hbm>> -> memref<64x128xf32, #tpu.memory_space<hbm>>
    tpu.enqueue_dma source(%arg6 : memref<64x128xf32, #tpu.memory_space<vmem>>) target(%dma_start3A_108 : memref<64x128xf32, #tpu.memory_space<hbm>>) target_semaphore(%arg11 : memref<!tpu.dma_semaphore, #tpu.memory_space<semaphore_mem>>)
    %mul3A_109 = arith.constant 1024 : i32
    %mul3A_110 = arith.muli %add3A, %mul3A_109 : i32
    %add3A_111 = arith.constant 512 : i32
    %add3A_112 = arith.addi %mul3A_110, %add3A_111 : i32
    %dma_start3A_113 = arith.constant 0 : i32
    %dma_start3A_114 = tpu.memref_slice %arg2[%dma_start3A_113, %add3A_112] : memref<8x32768xf32, #tpu.memory_space<hbm>> -> memref<8x128xf32, #tpu.memory_space<hbm>>
    %dma_start3A_115 = arith.constant 0 : i32
    %dma_start3A_116 = tpu.memref_slice %arg2[%dma_start3A_115, %add3A_112] : memref<8x32768xf32, #tpu.memory_space<hbm>> -> memref<8x128xf32, #tpu.memory_space<hbm>>
    tpu.enqueue_dma source(%dma_start3A_116 : memref<8x128xf32, #tpu.memory_space<hbm>>) target(%arg4 : memref<8x128xf32, #tpu.memory_space<vmem>>) target_semaphore(%arg9 : memref<!tpu.dma_semaphore, #tpu.memory_space<semaphore_mem>>)
    %mul3A_117 = arith.constant 1024 : i32
    %mul3A_118 = arith.muli %add3A, %mul3A_117 : i32
    %add3A_119 = arith.constant 384 : i32
    %add3A_120 = arith.addi %mul3A_118, %add3A_119 : i32
    %dma_wait3A_121 = arith.constant 0 : i32
    %dma_wait3A_122 = tpu.memref_slice %arg2[%dma_wait3A_121, %add3A_120] : memref<8x32768xf32, #tpu.memory_space<hbm>> -> memref<8x128xf32, #tpu.memory_space<hbm>>
    %dma_wait3A_123 = arith.constant 0 : i32
    %dma_wait3A_124 = tpu.memref_slice %arg2[%dma_wait3A_123, %add3A_120] : memref<8x32768xf32, #tpu.memory_space<hbm>> -> memref<8x128xf32, #tpu.memory_space<hbm>>
    tpu.wait_dma2 semaphore(%arg10 : memref<!tpu.dma_semaphore, #tpu.memory_space<semaphore_mem>>) src(%dma_wait3A_124 : memref<8x128xf32, #tpu.memory_space<hbm>>) dst(%arg5 : memref<8x128xf32, #tpu.memory_space<vmem>>)
    %mul3A_125 = arith.constant 1024 : i32
    %mul3A_126 = arith.muli %add3A, %mul3A_125 : i32
    %add3A_127 = arith.constant 128 : i32
    %add3A_128 = arith.addi %mul3A_126, %add3A_127 : i32
    %dma_wait3A_129 = arith.constant 0 : i32
    %dma_wait3A_130 = tpu.memref_slice %arg3[%dma_wait3A_129, %add3A_128] : memref<64x32768xf32, #tpu.memory_space<hbm>> -> memref<64x128xf32, #tpu.memory_space<hbm>>
    %dma_wait3A_131 = arith.constant 0 : i32
    %dma_wait3A_132 = tpu.memref_slice %arg3[%dma_wait3A_131, %add3A_128] : memref<64x32768xf32, #tpu.memory_space<hbm>> -> memref<64x128xf32, #tpu.memory_space<hbm>>
    tpu.wait_dma2 semaphore(%arg12 : memref<!tpu.dma_semaphore, #tpu.memory_space<semaphore_mem>>) src(%arg7 : memref<64x128xf32, #tpu.memory_space<vmem>>) dst(%dma_wait3A_132 : memref<64x128xf32, #tpu.memory_space<hbm>>)
    %scan3A_133 = arith.constant 0 : i32
    %scan3A_134 = arith.constant 0 : i32
    %scan3A_135 = arith.constant 8 : i32
    %scan3A_136 = arith.addi %scan3A_134, %scan3A_135 : i32
    %scan3A_137 = arith.constant 1 : i32
    %scan3A_138 = scf.for %scan3A_327 = %scan3A_134 to %scan3A_136 step %scan3A_137 iter_args(%scan3A_328 = %scan3A_133) -> (i32)  : i32 {
      %mul3A_329 = arith.constant 16 : i32
      %mul3A_330 = arith.muli %scan3A_327, %mul3A_329 : i32
      %add3A_331 = vector.broadcast %mul3A_330 : i32 to vector<16xi32>
      %add3A_332 = arith.addi %add3A_331, %iota3A : vector<16xi32>
      %add3A_333 = arith.constant 8 : i32
      %add3A_334 = arith.addi %add3A_333, %scan3A_327 : i32
      %mul3A_335 = arith.constant 2 : i32
      %mul3A_336 = arith.muli %add3A_334, %mul3A_335 : i32
      %mul3A_337 = arith.constant 16 : i32
      %mul3A_338 = arith.muli %mul3A_336, %mul3A_337 : i32
      %add3A_339 = arith.constant 8 : i32
      %add3A_340 = arith.addi %add3A_339, %scan3A_327 : i32
      %mul3A_341 = arith.constant 2 : i32
      %mul3A_342 = arith.muli %add3A_340, %mul3A_341 : i32
      %mul3A_343 = arith.constant 16 : i32
      %mul3A_344 = arith.muli %mul3A_342, %mul3A_343 : i32
      %add3A_345 = arith.constant 16 : i32
      %add3A_346 = arith.addi %mul3A_344, %add3A_345 : i32
      %get3A = arith.index_cast %mul3A_338 : i32 to index
      %get3A_347 = tpu.vector_load %arg8[%get3A] {strides = array<i32>} : memref<512xi32, #tpu.memory_space<vmem>>, vector<16xi32>,
      tpu.vector_store_idx %arg7[%get3A_347, %add3A_332], %broadcast_in_dim3A_1 : memref<64x128xf32, #tpu.memory_space<vmem>>[vector<16xi32>, vector<16xi32>], vector<16xf32>,
      %get3A_348 = arith.index_cast %add3A_346 : i32 to index
      %get3A_349 = tpu.vector_load %arg8[%get3A_348] {strides = array<i32>} : memref<512xi32, #tpu.memory_space<vmem>>, vector<16xi32>,
      tpu.vector_store_idx %arg7[%get3A_349, %add3A_332], %broadcast_in_dim3A_1 : memref<64x128xf32, #tpu.memory_space<vmem>>[vector<16xi32>, vector<16xi32>], vector<16xf32>,
      %scan3A_350 = arith.constant 0 : i32
      scf.yield %scan3A_350 : i32
    }
    %scan3A_139 = arith.constant 8 : i32
    %parallel_loop3A_140 = arith.constant 0 : i32
    %parallel_loop3A_141 = arith.constant 8 : i32
    %parallel_loop3A_142 = arith.constant 1 : i32
    scf.for %parallel_loop3A_327 = %parallel_loop3A_140 to %parallel_loop3A_141 step %parallel_loop3A_142  : i32 {
      %parallel_loop3A_328 = arith.constant 16 : i32
      %parallel_loop3A_329 = arith.muli %parallel_loop3A_327, %parallel_loop3A_328 : i32
      %parallel_loop3A_330 = vector.broadcast %parallel_loop3A_329 : i32 to vector<16xi32>
      %parallel_loop3A_331 = arith.addi %parallel_loop3A_330, %iota3A : vector<16xi32>
      %parallel_loop3A_332 = arith.constant 0 : i32
      %parallel_loop3A_333 = arith.index_cast %parallel_loop3A_332 : i32 to index
      %parallel_loop3A_334 = arith.index_cast %parallel_loop3A_329 : i32 to index
      %parallel_loop3A_335 = tpu.vector_load %arg5[%parallel_loop3A_333, %parallel_loop3A_334] {strides = array<i32>} : memref<8x128xf32, #tpu.memory_space<vmem>>, vector<16xf32>,
      %parallel_loop3A_336 = arith.constant 1 : i32
      %parallel_loop3A_337 = arith.index_cast %parallel_loop3A_336 : i32 to index
      %parallel_loop3A_338 = arith.index_cast %parallel_loop3A_329 : i32 to index
      %parallel_loop3A_339 = tpu.vector_load %arg5[%parallel_loop3A_337, %parallel_loop3A_338] {strides = array<i32>} : memref<8x128xf32, #tpu.memory_space<vmem>>, vector<16xf32>,
      %parallel_loop3A_340 = arith.constant 2 : i32
      %parallel_loop3A_341 = arith.index_cast %parallel_loop3A_340 : i32 to index
      %parallel_loop3A_342 = arith.index_cast %parallel_loop3A_329 : i32 to index
      %parallel_loop3A_343 = tpu.vector_load %arg5[%parallel_loop3A_341, %parallel_loop3A_342] {strides = array<i32>} : memref<8x128xf32, #tpu.memory_space<vmem>>, vector<16xf32>,
      %parallel_loop3A_344 = arith.fptosi %parallel_loop3A_343 : vector<16xf32> to vector<16xi32>
      %parallel_loop3A_345 = arith.constant 3 : i32
      %parallel_loop3A_346 = arith.index_cast %parallel_loop3A_345 : i32 to index
      %parallel_loop3A_347 = arith.index_cast %parallel_loop3A_329 : i32 to index
      %parallel_loop3A_348 = tpu.vector_load %arg5[%parallel_loop3A_346, %parallel_loop3A_347] {strides = array<i32>} : memref<8x128xf32, #tpu.memory_space<vmem>>, vector<16xf32>,
      %parallel_loop3A_349 = arith.fptosi %parallel_loop3A_348 : vector<16xf32> to vector<16xi32>
      tpu.vector_store_idx %arg7[%parallel_loop3A_344, %parallel_loop3A_331], %parallel_loop3A_335 : memref<64x128xf32, #tpu.memory_space<vmem>>[vector<16xi32>, vector<16xi32>], vector<16xf32>,
      tpu.vector_store_idx %arg7[%parallel_loop3A_349, %parallel_loop3A_331], %parallel_loop3A_339 : memref<64x128xf32, #tpu.memory_space<vmem>>[vector<16xi32>, vector<16xi32>], vector<16xf32>,
      %parallel_loop3A_350 = arith.constant 8 : i32
      %parallel_loop3A_351 = arith.addi %parallel_loop3A_350, %parallel_loop3A_327 : i32
      %parallel_loop3A_352 = arith.constant 2 : i32
      %parallel_loop3A_353 = arith.muli %parallel_loop3A_351, %parallel_loop3A_352 : i32
      %parallel_loop3A_354 = arith.constant 16 : i32
      %parallel_loop3A_355 = arith.muli %parallel_loop3A_353, %parallel_loop3A_354 : i32
      %parallel_loop3A_356 = arith.index_cast %parallel_loop3A_355 : i32 to index
      %parallel_loop3A_357 = tpu.vector_load %arg8[%parallel_loop3A_356] {strides = array<i32>} : memref<512xi32, #tpu.memory_space<vmem>>, vector<16xi32>,
      tpu.vector_store %arg8[%parallel_loop3A_356], %parallel_loop3A_344 {strides = array<i32>} : memref<512xi32, #tpu.memory_space<vmem>>, vector<16xi32>,
      %parallel_loop3A_358 = arith.constant 8 : i32
      %parallel_loop3A_359 = arith.addi %parallel_loop3A_358, %parallel_loop3A_327 : i32
      %parallel_loop3A_360 = arith.constant 2 : i32
      %parallel_loop3A_361 = arith.muli %parallel_loop3A_359, %parallel_loop3A_360 : i32
      %parallel_loop3A_362 = arith.constant 16 : i32
      %parallel_loop3A_363 = arith.muli %parallel_loop3A_361, %parallel_loop3A_362 : i32
      %parallel_loop3A_364 = arith.constant 16 : i32
      %parallel_loop3A_365 = arith.addi %parallel_loop3A_363, %parallel_loop3A_364 : i32
      %parallel_loop3A_366 = arith.index_cast %parallel_loop3A_365 : i32 to index
      %parallel_loop3A_367 = tpu.vector_load %arg8[%parallel_loop3A_366] {strides = array<i32>} : memref<512xi32, #tpu.memory_space<vmem>>, vector<16xi32>,
      tpu.vector_store %arg8[%parallel_loop3A_366], %parallel_loop3A_349 {strides = array<i32>} : memref<512xi32, #tpu.memory_space<vmem>>, vector<16xi32>,
    } {sc.loop_unroll_factor = 4 : i64, sc.parallel_access}
    %mul3A_143 = arith.constant 1024 : i32
    %mul3A_144 = arith.muli %add3A, %mul3A_143 : i32
    %add3A_145 = arith.constant 384 : i32
    %add3A_146 = arith.addi %mul3A_144, %add3A_145 : i32
    %dma_start3A_147 = arith.constant 0 : i32
    %dma_start3A_148 = tpu.memref_slice %arg3[%dma_start3A_147, %add3A_146] : memref<64x32768xf32, #tpu.memory_space<hbm>> -> memref<64x128xf32, #tpu.memory_space<hbm>>
    %dma_start3A_149 = arith.constant 0 : i32
    %dma_start3A_150 = tpu.memref_slice %arg3[%dma_start3A_149, %add3A_146] : memref<64x32768xf32, #tpu.memory_space<hbm>> -> memref<64x128xf32, #tpu.memory_space<hbm>>
    tpu.enqueue_dma source(%arg7 : memref<64x128xf32, #tpu.memory_space<vmem>>) target(%dma_start3A_150 : memref<64x128xf32, #tpu.memory_space<hbm>>) target_semaphore(%arg12 : memref<!tpu.dma_semaphore, #tpu.memory_space<semaphore_mem>>)
    %mul3A_151 = arith.constant 1024 : i32
    %mul3A_152 = arith.muli %add3A, %mul3A_151 : i32
    %add3A_153 = arith.constant 640 : i32
    %add3A_154 = arith.addi %mul3A_152, %add3A_153 : i32
    %dma_start3A_155 = arith.constant 0 : i32
    %dma_start3A_156 = tpu.memref_slice %arg2[%dma_start3A_155, %add3A_154] : memref<8x32768xf32, #tpu.memory_space<hbm>> -> memref<8x128xf32, #tpu.memory_space<hbm>>
    %dma_start3A_157 = arith.constant 0 : i32
    %dma_start3A_158 = tpu.memref_slice %arg2[%dma_start3A_157, %add3A_154] : memref<8x32768xf32, #tpu.memory_space<hbm>> -> memref<8x128xf32, #tpu.memory_space<hbm>>
    tpu.enqueue_dma source(%dma_start3A_158 : memref<8x128xf32, #tpu.memory_space<hbm>>) target(%arg5 : memref<8x128xf32, #tpu.memory_space<vmem>>) target_semaphore(%arg10 : memref<!tpu.dma_semaphore, #tpu.memory_space<semaphore_mem>>)
    %mul3A_159 = arith.constant 1024 : i32
    %mul3A_160 = arith.muli %add3A, %mul3A_159 : i32
    %add3A_161 = arith.constant 512 : i32
    %add3A_162 = arith.addi %mul3A_160, %add3A_161 : i32
    %dma_wait3A_163 = arith.constant 0 : i32
    %dma_wait3A_164 = tpu.memref_slice %arg2[%dma_wait3A_163, %add3A_162] : memref<8x32768xf32, #tpu.memory_space<hbm>> -> memref<8x128xf32, #tpu.memory_space<hbm>>
    %dma_wait3A_165 = arith.constant 0 : i32
    %dma_wait3A_166 = tpu.memref_slice %arg2[%dma_wait3A_165, %add3A_162] : memref<8x32768xf32, #tpu.memory_space<hbm>> -> memref<8x128xf32, #tpu.memory_space<hbm>>
    tpu.wait_dma2 semaphore(%arg9 : memref<!tpu.dma_semaphore, #tpu.memory_space<semaphore_mem>>) src(%dma_wait3A_166 : memref<8x128xf32, #tpu.memory_space<hbm>>) dst(%arg4 : memref<8x128xf32, #tpu.memory_space<vmem>>)
    %mul3A_167 = arith.constant 1024 : i32
    %mul3A_168 = arith.muli %add3A, %mul3A_167 : i32
    %add3A_169 = arith.constant 256 : i32
    %add3A_170 = arith.addi %mul3A_168, %add3A_169 : i32
    %dma_wait3A_171 = arith.constant 0 : i32
    %dma_wait3A_172 = tpu.memref_slice %arg3[%dma_wait3A_171, %add3A_170] : memref<64x32768xf32, #tpu.memory_space<hbm>> -> memref<64x128xf32, #tpu.memory_space<hbm>>
    %dma_wait3A_173 = arith.constant 0 : i32
    %dma_wait3A_174 = tpu.memref_slice %arg3[%dma_wait3A_173, %add3A_170] : memref<64x32768xf32, #tpu.memory_space<hbm>> -> memref<64x128xf32, #tpu.memory_space<hbm>>
    tpu.wait_dma2 semaphore(%arg11 : memref<!tpu.dma_semaphore, #tpu.memory_space<semaphore_mem>>) src(%arg6 : memref<64x128xf32, #tpu.memory_space<vmem>>) dst(%dma_wait3A_174 : memref<64x128xf32, #tpu.memory_space<hbm>>)
    %scan3A_175 = arith.constant 0 : i32
    %scan3A_176 = arith.constant 0 : i32
    %scan3A_177 = arith.constant 8 : i32
    %scan3A_178 = arith.addi %scan3A_176, %scan3A_177 : i32
    %scan3A_179 = arith.constant 1 : i32
    %scan3A_180 = scf.for %scan3A_327 = %scan3A_176 to %scan3A_178 step %scan3A_179 iter_args(%scan3A_328 = %scan3A_175) -> (i32)  : i32 {
      %mul3A_329 = arith.constant 16 : i32
      %mul3A_330 = arith.muli %scan3A_327, %mul3A_329 : i32
      %add3A_331 = vector.broadcast %mul3A_330 : i32 to vector<16xi32>
      %add3A_332 = arith.addi %add3A_331, %iota3A : vector<16xi32>
      %add3A_333 = arith.constant 0 : i32
      %add3A_334 = arith.addi %add3A_333, %scan3A_327 : i32
      %mul3A_335 = arith.constant 2 : i32
      %mul3A_336 = arith.muli %add3A_334, %mul3A_335 : i32
      %mul3A_337 = arith.constant 16 : i32
      %mul3A_338 = arith.muli %mul3A_336, %mul3A_337 : i32
      %add3A_339 = arith.constant 0 : i32
      %add3A_340 = arith.addi %add3A_339, %scan3A_327 : i32
      %mul3A_341 = arith.constant 2 : i32
      %mul3A_342 = arith.muli %add3A_340, %mul3A_341 : i32
      %mul3A_343 = arith.constant 16 : i32
      %mul3A_344 = arith.muli %mul3A_342, %mul3A_343 : i32
      %add3A_345 = arith.constant 16 : i32
      %add3A_346 = arith.addi %mul3A_344, %add3A_345 : i32
      %get3A = arith.index_cast %mul3A_338 : i32 to index
      %get3A_347 = tpu.vector_load %arg8[%get3A] {strides = array<i32>} : memref<512xi32, #tpu.memory_space<vmem>>, vector<16xi32>,
      tpu.vector_store_idx %arg6[%get3A_347, %add3A_332], %broadcast_in_dim3A_1 : memref<64x128xf32, #tpu.memory_space<vmem>>[vector<16xi32>, vector<16xi32>], vector<16xf32>,
      %get3A_348 = arith.index_cast %add3A_346 : i32 to index
      %get3A_349 = tpu.vector_load %arg8[%get3A_348] {strides = array<i32>} : memref<512xi32, #tpu.memory_space<vmem>>, vector<16xi32>,
      tpu.vector_store_idx %arg6[%get3A_349, %add3A_332], %broadcast_in_dim3A_1 : memref<64x128xf32, #tpu.memory_space<vmem>>[vector<16xi32>, vector<16xi32>], vector<16xf32>,
      %scan3A_350 = arith.constant 0 : i32
      scf.yield %scan3A_350 : i32
    }
    %scan3A_181 = arith.constant 8 : i32
    %parallel_loop3A_182 = arith.constant 0 : i32
    %parallel_loop3A_183 = arith.constant 8 : i32
    %parallel_loop3A_184 = arith.constant 1 : i32
    scf.for %parallel_loop3A_327 = %parallel_loop3A_182 to %parallel_loop3A_183 step %parallel_loop3A_184  : i32 {
      %parallel_loop3A_328 = arith.constant 16 : i32
      %parallel_loop3A_329 = arith.muli %parallel_loop3A_327, %parallel_loop3A_328 : i32
      %parallel_loop3A_330 = vector.broadcast %parallel_loop3A_329 : i32 to vector<16xi32>
      %parallel_loop3A_331 = arith.addi %parallel_loop3A_330, %iota3A : vector<16xi32>
      %parallel_loop3A_332 = arith.constant 0 : i32
      %parallel_loop3A_333 = arith.index_cast %parallel_loop3A_332 : i32 to index
      %parallel_loop3A_334 = arith.index_cast %parallel_loop3A_329 : i32 to index
      %parallel_loop3A_335 = tpu.vector_load %arg4[%parallel_loop3A_333, %parallel_loop3A_334] {strides = array<i32>} : memref<8x128xf32, #tpu.memory_space<vmem>>, vector<16xf32>,
      %parallel_loop3A_336 = arith.constant 1 : i32
      %parallel_loop3A_337 = arith.index_cast %parallel_loop3A_336 : i32 to index
      %parallel_loop3A_338 = arith.index_cast %parallel_loop3A_329 : i32 to index
      %parallel_loop3A_339 = tpu.vector_load %arg4[%parallel_loop3A_337, %parallel_loop3A_338] {strides = array<i32>} : memref<8x128xf32, #tpu.memory_space<vmem>>, vector<16xf32>,
      %parallel_loop3A_340 = arith.constant 2 : i32
      %parallel_loop3A_341 = arith.index_cast %parallel_loop3A_340 : i32 to index
      %parallel_loop3A_342 = arith.index_cast %parallel_loop3A_329 : i32 to index
      %parallel_loop3A_343 = tpu.vector_load %arg4[%parallel_loop3A_341, %parallel_loop3A_342] {strides = array<i32>} : memref<8x128xf32, #tpu.memory_space<vmem>>, vector<16xf32>,
      %parallel_loop3A_344 = arith.fptosi %parallel_loop3A_343 : vector<16xf32> to vector<16xi32>
      %parallel_loop3A_345 = arith.constant 3 : i32
      %parallel_loop3A_346 = arith.index_cast %parallel_loop3A_345 : i32 to index
      %parallel_loop3A_347 = arith.index_cast %parallel_loop3A_329 : i32 to index
      %parallel_loop3A_348 = tpu.vector_load %arg4[%parallel_loop3A_346, %parallel_loop3A_347] {strides = array<i32>} : memref<8x128xf32, #tpu.memory_space<vmem>>, vector<16xf32>,
      %parallel_loop3A_349 = arith.fptosi %parallel_loop3A_348 : vector<16xf32> to vector<16xi32>
      tpu.vector_store_idx %arg6[%parallel_loop3A_344, %parallel_loop3A_331], %parallel_loop3A_335 : memref<64x128xf32, #tpu.memory_space<vmem>>[vector<16xi32>, vector<16xi32>], vector<16xf32>,
      tpu.vector_store_idx %arg6[%parallel_loop3A_349, %parallel_loop3A_331], %parallel_loop3A_339 : memref<64x128xf32, #tpu.memory_space<vmem>>[vector<16xi32>, vector<16xi32>], vector<16xf32>,
      %parallel_loop3A_350 = arith.constant 0 : i32
      %parallel_loop3A_351 = arith.addi %parallel_loop3A_350, %parallel_loop3A_327 : i32
      %parallel_loop3A_352 = arith.constant 2 : i32
      %parallel_loop3A_353 = arith.muli %parallel_loop3A_351, %parallel_loop3A_352 : i32
      %parallel_loop3A_354 = arith.constant 16 : i32
      %parallel_loop3A_355 = arith.muli %parallel_loop3A_353, %parallel_loop3A_354 : i32
      %parallel_loop3A_356 = arith.index_cast %parallel_loop3A_355 : i32 to index
      %parallel_loop3A_357 = tpu.vector_load %arg8[%parallel_loop3A_356] {strides = array<i32>} : memref<512xi32, #tpu.memory_space<vmem>>, vector<16xi32>,
      tpu.vector_store %arg8[%parallel_loop3A_356], %parallel_loop3A_344 {strides = array<i32>} : memref<512xi32, #tpu.memory_space<vmem>>, vector<16xi32>,
      %parallel_loop3A_358 = arith.constant 0 : i32
      %parallel_loop3A_359 = arith.addi %parallel_loop3A_358, %parallel_loop3A_327 : i32
      %parallel_loop3A_360 = arith.constant 2 : i32
      %parallel_loop3A_361 = arith.muli %parallel_loop3A_359, %parallel_loop3A_360 : i32
      %parallel_loop3A_362 = arith.constant 16 : i32
      %parallel_loop3A_363 = arith.muli %parallel_loop3A_361, %parallel_loop3A_362 : i32
      %parallel_loop3A_364 = arith.constant 16 : i32
      %parallel_loop3A_365 = arith.addi %parallel_loop3A_363, %parallel_loop3A_364 : i32
      %parallel_loop3A_366 = arith.index_cast %parallel_loop3A_365 : i32 to index
      %parallel_loop3A_367 = tpu.vector_load %arg8[%parallel_loop3A_366] {strides = array<i32>} : memref<512xi32, #tpu.memory_space<vmem>>, vector<16xi32>,
      tpu.vector_store %arg8[%parallel_loop3A_366], %parallel_loop3A_349 {strides = array<i32>} : memref<512xi32, #tpu.memory_space<vmem>>, vector<16xi32>,
    } {sc.loop_unroll_factor = 4 : i64, sc.parallel_access}
    %mul3A_185 = arith.constant 1024 : i32
    %mul3A_186 = arith.muli %add3A, %mul3A_185 : i32
    %add3A_187 = arith.constant 512 : i32
    %add3A_188 = arith.addi %mul3A_186, %add3A_187 : i32
    %dma_start3A_189 = arith.constant 0 : i32
    %dma_start3A_190 = tpu.memref_slice %arg3[%dma_start3A_189, %add3A_188] : memref<64x32768xf32, #tpu.memory_space<hbm>> -> memref<64x128xf32, #tpu.memory_space<hbm>>
    %dma_start3A_191 = arith.constant 0 : i32
    %dma_start3A_192 = tpu.memref_slice %arg3[%dma_start3A_191, %add3A_188] : memref<64x32768xf32, #tpu.memory_space<hbm>> -> memref<64x128xf32, #tpu.memory_space<hbm>>
    tpu.enqueue_dma source(%arg6 : memref<64x128xf32, #tpu.memory_space<vmem>>) target(%dma_start3A_192 : memref<64x128xf32, #tpu.memory_space<hbm>>) target_semaphore(%arg11 : memref<!tpu.dma_semaphore, #tpu.memory_space<semaphore_mem>>)
    %mul3A_193 = arith.constant 1024 : i32
    %mul3A_194 = arith.muli %add3A, %mul3A_193 : i32
    %add3A_195 = arith.constant 768 : i32
    %add3A_196 = arith.addi %mul3A_194, %add3A_195 : i32
    %dma_start3A_197 = arith.constant 0 : i32
    %dma_start3A_198 = tpu.memref_slice %arg2[%dma_start3A_197, %add3A_196] : memref<8x32768xf32, #tpu.memory_space<hbm>> -> memref<8x128xf32, #tpu.memory_space<hbm>>
    %dma_start3A_199 = arith.constant 0 : i32
    %dma_start3A_200 = tpu.memref_slice %arg2[%dma_start3A_199, %add3A_196] : memref<8x32768xf32, #tpu.memory_space<hbm>> -> memref<8x128xf32, #tpu.memory_space<hbm>>
    tpu.enqueue_dma source(%dma_start3A_200 : memref<8x128xf32, #tpu.memory_space<hbm>>) target(%arg4 : memref<8x128xf32, #tpu.memory_space<vmem>>) target_semaphore(%arg9 : memref<!tpu.dma_semaphore, #tpu.memory_space<semaphore_mem>>)
    %mul3A_201 = arith.constant 1024 : i32
    %mul3A_202 = arith.muli %add3A, %mul3A_201 : i32
    %add3A_203 = arith.constant 640 : i32
    %add3A_204 = arith.addi %mul3A_202, %add3A_203 : i32
    %dma_wait3A_205 = arith.constant 0 : i32
    %dma_wait3A_206 = tpu.memref_slice %arg2[%dma_wait3A_205, %add3A_204] : memref<8x32768xf32, #tpu.memory_space<hbm>> -> memref<8x128xf32, #tpu.memory_space<hbm>>
    %dma_wait3A_207 = arith.constant 0 : i32
    %dma_wait3A_208 = tpu.memref_slice %arg2[%dma_wait3A_207, %add3A_204] : memref<8x32768xf32, #tpu.memory_space<hbm>> -> memref<8x128xf32, #tpu.memory_space<hbm>>
    tpu.wait_dma2 semaphore(%arg10 : memref<!tpu.dma_semaphore, #tpu.memory_space<semaphore_mem>>) src(%dma_wait3A_208 : memref<8x128xf32, #tpu.memory_space<hbm>>) dst(%arg5 : memref<8x128xf32, #tpu.memory_space<vmem>>)
    %mul3A_209 = arith.constant 1024 : i32
    %mul3A_210 = arith.muli %add3A, %mul3A_209 : i32
    %add3A_211 = arith.constant 384 : i32
    %add3A_212 = arith.addi %mul3A_210, %add3A_211 : i32
    %dma_wait3A_213 = arith.constant 0 : i32
    %dma_wait3A_214 = tpu.memref_slice %arg3[%dma_wait3A_213, %add3A_212] : memref<64x32768xf32, #tpu.memory_space<hbm>> -> memref<64x128xf32, #tpu.memory_space<hbm>>
    %dma_wait3A_215 = arith.constant 0 : i32
    %dma_wait3A_216 = tpu.memref_slice %arg3[%dma_wait3A_215, %add3A_212] : memref<64x32768xf32, #tpu.memory_space<hbm>> -> memref<64x128xf32, #tpu.memory_space<hbm>>
    tpu.wait_dma2 semaphore(%arg12 : memref<!tpu.dma_semaphore, #tpu.memory_space<semaphore_mem>>) src(%arg7 : memref<64x128xf32, #tpu.memory_space<vmem>>) dst(%dma_wait3A_216 : memref<64x128xf32, #tpu.memory_space<hbm>>)
    %scan3A_217 = arith.constant 0 : i32
    %scan3A_218 = arith.constant 0 : i32
    %scan3A_219 = arith.constant 8 : i32
    %scan3A_220 = arith.addi %scan3A_218, %scan3A_219 : i32
    %scan3A_221 = arith.constant 1 : i32
    %scan3A_222 = scf.for %scan3A_327 = %scan3A_218 to %scan3A_220 step %scan3A_221 iter_args(%scan3A_328 = %scan3A_217) -> (i32)  : i32 {
      %mul3A_329 = arith.constant 16 : i32
      %mul3A_330 = arith.muli %scan3A_327, %mul3A_329 : i32
      %add3A_331 = vector.broadcast %mul3A_330 : i32 to vector<16xi32>
      %add3A_332 = arith.addi %add3A_331, %iota3A : vector<16xi32>
      %add3A_333 = arith.constant 8 : i32
      %add3A_334 = arith.addi %add3A_333, %scan3A_327 : i32
      %mul3A_335 = arith.constant 2 : i32
      %mul3A_336 = arith.muli %add3A_334, %mul3A_335 : i32
      %mul3A_337 = arith.constant 16 : i32
      %mul3A_338 = arith.muli %mul3A_336, %mul3A_337 : i32
      %add3A_339 = arith.constant 8 : i32
      %add3A_340 = arith.addi %add3A_339, %scan3A_327 : i32
      %mul3A_341 = arith.constant 2 : i32
      %mul3A_342 = arith.muli %add3A_340, %mul3A_341 : i32
      %mul3A_343 = arith.constant 16 : i32
      %mul3A_344 = arith.muli %mul3A_342, %mul3A_343 : i32
      %add3A_345 = arith.constant 16 : i32
      %add3A_346 = arith.addi %mul3A_344, %add3A_345 : i32
      %get3A = arith.index_cast %mul3A_338 : i32 to index
      %get3A_347 = tpu.vector_load %arg8[%get3A] {strides = array<i32>} : memref<512xi32, #tpu.memory_space<vmem>>, vector<16xi32>,
      tpu.vector_store_idx %arg7[%get3A_347, %add3A_332], %broadcast_in_dim3A_1 : memref<64x128xf32, #tpu.memory_space<vmem>>[vector<16xi32>, vector<16xi32>], vector<16xf32>,
      %get3A_348 = arith.index_cast %add3A_346 : i32 to index
      %get3A_349 = tpu.vector_load %arg8[%get3A_348] {strides = array<i32>} : memref<512xi32, #tpu.memory_space<vmem>>, vector<16xi32>,
      tpu.vector_store_idx %arg7[%get3A_349, %add3A_332], %broadcast_in_dim3A_1 : memref<64x128xf32, #tpu.memory_space<vmem>>[vector<16xi32>, vector<16xi32>], vector<16xf32>,
      %scan3A_350 = arith.constant 0 : i32
      scf.yield %scan3A_350 : i32
    }
    %scan3A_223 = arith.constant 8 : i32
    %parallel_loop3A_224 = arith.constant 0 : i32
    %parallel_loop3A_225 = arith.constant 8 : i32
    %parallel_loop3A_226 = arith.constant 1 : i32
    scf.for %parallel_loop3A_327 = %parallel_loop3A_224 to %parallel_loop3A_225 step %parallel_loop3A_226  : i32 {
      %parallel_loop3A_328 = arith.constant 16 : i32
      %parallel_loop3A_329 = arith.muli %parallel_loop3A_327, %parallel_loop3A_328 : i32
      %parallel_loop3A_330 = vector.broadcast %parallel_loop3A_329 : i32 to vector<16xi32>
      %parallel_loop3A_331 = arith.addi %parallel_loop3A_330, %iota3A : vector<16xi32>
      %parallel_loop3A_332 = arith.constant 0 : i32
      %parallel_loop3A_333 = arith.index_cast %parallel_loop3A_332 : i32 to index
      %parallel_loop3A_334 = arith.index_cast %parallel_loop3A_329 : i32 to index
      %parallel_loop3A_335 = tpu.vector_load %arg5[%parallel_loop3A_333, %parallel_loop3A_334] {strides = array<i32>} : memref<8x128xf32, #tpu.memory_space<vmem>>, vector<16xf32>,
      %parallel_loop3A_336 = arith.constant 1 : i32
      %parallel_loop3A_337 = arith.index_cast %parallel_loop3A_336 : i32 to index
      %parallel_loop3A_338 = arith.index_cast %parallel_loop3A_329 : i32 to index
      %parallel_loop3A_339 = tpu.vector_load %arg5[%parallel_loop3A_337, %parallel_loop3A_338] {strides = array<i32>} : memref<8x128xf32, #tpu.memory_space<vmem>>, vector<16xf32>,
      %parallel_loop3A_340 = arith.constant 2 : i32
      %parallel_loop3A_341 = arith.index_cast %parallel_loop3A_340 : i32 to index
      %parallel_loop3A_342 = arith.index_cast %parallel_loop3A_329 : i32 to index
      %parallel_loop3A_343 = tpu.vector_load %arg5[%parallel_loop3A_341, %parallel_loop3A_342] {strides = array<i32>} : memref<8x128xf32, #tpu.memory_space<vmem>>, vector<16xf32>,
      %parallel_loop3A_344 = arith.fptosi %parallel_loop3A_343 : vector<16xf32> to vector<16xi32>
      %parallel_loop3A_345 = arith.constant 3 : i32
      %parallel_loop3A_346 = arith.index_cast %parallel_loop3A_345 : i32 to index
      %parallel_loop3A_347 = arith.index_cast %parallel_loop3A_329 : i32 to index
      %parallel_loop3A_348 = tpu.vector_load %arg5[%parallel_loop3A_346, %parallel_loop3A_347] {strides = array<i32>} : memref<8x128xf32, #tpu.memory_space<vmem>>, vector<16xf32>,
      %parallel_loop3A_349 = arith.fptosi %parallel_loop3A_348 : vector<16xf32> to vector<16xi32>
      tpu.vector_store_idx %arg7[%parallel_loop3A_344, %parallel_loop3A_331], %parallel_loop3A_335 : memref<64x128xf32, #tpu.memory_space<vmem>>[vector<16xi32>, vector<16xi32>], vector<16xf32>,
      tpu.vector_store_idx %arg7[%parallel_loop3A_349, %parallel_loop3A_331], %parallel_loop3A_339 : memref<64x128xf32, #tpu.memory_space<vmem>>[vector<16xi32>, vector<16xi32>], vector<16xf32>,
      %parallel_loop3A_350 = arith.constant 8 : i32
      %parallel_loop3A_351 = arith.addi %parallel_loop3A_350, %parallel_loop3A_327 : i32
      %parallel_loop3A_352 = arith.constant 2 : i32
      %parallel_loop3A_353 = arith.muli %parallel_loop3A_351, %parallel_loop3A_352 : i32
      %parallel_loop3A_354 = arith.constant 16 : i32
      %parallel_loop3A_355 = arith.muli %parallel_loop3A_353, %parallel_loop3A_354 : i32
      %parallel_loop3A_356 = arith.index_cast %parallel_loop3A_355 : i32 to index
      %parallel_loop3A_357 = tpu.vector_load %arg8[%parallel_loop3A_356] {strides = array<i32>} : memref<512xi32, #tpu.memory_space<vmem>>, vector<16xi32>,
      tpu.vector_store %arg8[%parallel_loop3A_356], %parallel_loop3A_344 {strides = array<i32>} : memref<512xi32, #tpu.memory_space<vmem>>, vector<16xi32>,
      %parallel_loop3A_358 = arith.constant 8 : i32
      %parallel_loop3A_359 = arith.addi %parallel_loop3A_358, %parallel_loop3A_327 : i32
      %parallel_loop3A_360 = arith.constant 2 : i32
      %parallel_loop3A_361 = arith.muli %parallel_loop3A_359, %parallel_loop3A_360 : i32
      %parallel_loop3A_362 = arith.constant 16 : i32
      %parallel_loop3A_363 = arith.muli %parallel_loop3A_361, %parallel_loop3A_362 : i32
      %parallel_loop3A_364 = arith.constant 16 : i32
      %parallel_loop3A_365 = arith.addi %parallel_loop3A_363, %parallel_loop3A_364 : i32
      %parallel_loop3A_366 = arith.index_cast %parallel_loop3A_365 : i32 to index
      %parallel_loop3A_367 = tpu.vector_load %arg8[%parallel_loop3A_366] {strides = array<i32>} : memref<512xi32, #tpu.memory_space<vmem>>, vector<16xi32>,
      tpu.vector_store %arg8[%parallel_loop3A_366], %parallel_loop3A_349 {strides = array<i32>} : memref<512xi32, #tpu.memory_space<vmem>>, vector<16xi32>,
    } {sc.loop_unroll_factor = 4 : i64, sc.parallel_access}
    %mul3A_227 = arith.constant 1024 : i32
    %mul3A_228 = arith.muli %add3A, %mul3A_227 : i32
    %add3A_229 = arith.constant 640 : i32
    %add3A_230 = arith.addi %mul3A_228, %add3A_229 : i32
    %dma_start3A_231 = arith.constant 0 : i32
    %dma_start3A_232 = tpu.memref_slice %arg3[%dma_start3A_231, %add3A_230] : memref<64x32768xf32, #tpu.memory_space<hbm>> -> memref<64x128xf32, #tpu.memory_space<hbm>>
    %dma_start3A_233 = arith.constant 0 : i32
    %dma_start3A_234 = tpu.memref_slice %arg3[%dma_start3A_233, %add3A_230] : memref<64x32768xf32, #tpu.memory_space<hbm>> -> memref<64x128xf32, #tpu.memory_space<hbm>>
    tpu.enqueue_dma source(%arg7 : memref<64x128xf32, #tpu.memory_space<vmem>>) target(%dma_start3A_234 : memref<64x128xf32, #tpu.memory_space<hbm>>) target_semaphore(%arg12 : memref<!tpu.dma_semaphore, #tpu.memory_space<semaphore_mem>>)
    %mul3A_235 = arith.constant 1024 : i32
    %mul3A_236 = arith.muli %add3A, %mul3A_235 : i32
    %add3A_237 = arith.constant 896 : i32
    %add3A_238 = arith.addi %mul3A_236, %add3A_237 : i32
    %dma_start3A_239 = arith.constant 0 : i32
    %dma_start3A_240 = tpu.memref_slice %arg2[%dma_start3A_239, %add3A_238] : memref<8x32768xf32, #tpu.memory_space<hbm>> -> memref<8x128xf32, #tpu.memory_space<hbm>>
    %dma_start3A_241 = arith.constant 0 : i32
    %dma_start3A_242 = tpu.memref_slice %arg2[%dma_start3A_241, %add3A_238] : memref<8x32768xf32, #tpu.memory_space<hbm>> -> memref<8x128xf32, #tpu.memory_space<hbm>>
    tpu.enqueue_dma source(%dma_start3A_242 : memref<8x128xf32, #tpu.memory_space<hbm>>) target(%arg5 : memref<8x128xf32, #tpu.memory_space<vmem>>) target_semaphore(%arg10 : memref<!tpu.dma_semaphore, #tpu.memory_space<semaphore_mem>>)
    %mul3A_243 = arith.constant 1024 : i32
    %mul3A_244 = arith.muli %add3A, %mul3A_243 : i32
    %add3A_245 = arith.constant 768 : i32
    %add3A_246 = arith.addi %mul3A_244, %add3A_245 : i32
    %dma_wait3A_247 = arith.constant 0 : i32
    %dma_wait3A_248 = tpu.memref_slice %arg2[%dma_wait3A_247, %add3A_246] : memref<8x32768xf32, #tpu.memory_space<hbm>> -> memref<8x128xf32, #tpu.memory_space<hbm>>
    %dma_wait3A_249 = arith.constant 0 : i32
    %dma_wait3A_250 = tpu.memref_slice %arg2[%dma_wait3A_249, %add3A_246] : memref<8x32768xf32, #tpu.memory_space<hbm>> -> memref<8x128xf32, #tpu.memory_space<hbm>>
    tpu.wait_dma2 semaphore(%arg9 : memref<!tpu.dma_semaphore, #tpu.memory_space<semaphore_mem>>) src(%dma_wait3A_250 : memref<8x128xf32, #tpu.memory_space<hbm>>) dst(%arg4 : memref<8x128xf32, #tpu.memory_space<vmem>>)
    %mul3A_251 = arith.constant 1024 : i32
    %mul3A_252 = arith.muli %add3A, %mul3A_251 : i32
    %add3A_253 = arith.constant 512 : i32
    %add3A_254 = arith.addi %mul3A_252, %add3A_253 : i32
    %dma_wait3A_255 = arith.constant 0 : i32
    %dma_wait3A_256 = tpu.memref_slice %arg3[%dma_wait3A_255, %add3A_254] : memref<64x32768xf32, #tpu.memory_space<hbm>> -> memref<64x128xf32, #tpu.memory_space<hbm>>
    %dma_wait3A_257 = arith.constant 0 : i32
    %dma_wait3A_258 = tpu.memref_slice %arg3[%dma_wait3A_257, %add3A_254] : memref<64x32768xf32, #tpu.memory_space<hbm>> -> memref<64x128xf32, #tpu.memory_space<hbm>>
    tpu.wait_dma2 semaphore(%arg11 : memref<!tpu.dma_semaphore, #tpu.memory_space<semaphore_mem>>) src(%arg6 : memref<64x128xf32, #tpu.memory_space<vmem>>) dst(%dma_wait3A_258 : memref<64x128xf32, #tpu.memory_space<hbm>>)
    %scan3A_259 = arith.constant 0 : i32
    %scan3A_260 = arith.constant 0 : i32
    %scan3A_261 = arith.constant 8 : i32
    %scan3A_262 = arith.addi %scan3A_260, %scan3A_261 : i32
    %scan3A_263 = arith.constant 1 : i32
    %scan3A_264 = scf.for %scan3A_327 = %scan3A_260 to %scan3A_262 step %scan3A_263 iter_args(%scan3A_328 = %scan3A_259) -> (i32)  : i32 {
      %mul3A_329 = arith.constant 16 : i32
      %mul3A_330 = arith.muli %scan3A_327, %mul3A_329 : i32
      %add3A_331 = vector.broadcast %mul3A_330 : i32 to vector<16xi32>
      %add3A_332 = arith.addi %add3A_331, %iota3A : vector<16xi32>
      %add3A_333 = arith.constant 0 : i32
      %add3A_334 = arith.addi %add3A_333, %scan3A_327 : i32
      %mul3A_335 = arith.constant 2 : i32
      %mul3A_336 = arith.muli %add3A_334, %mul3A_335 : i32
      %mul3A_337 = arith.constant 16 : i32
      %mul3A_338 = arith.muli %mul3A_336, %mul3A_337 : i32
      %add3A_339 = arith.constant 0 : i32
      %add3A_340 = arith.addi %add3A_339, %scan3A_327 : i32
      %mul3A_341 = arith.constant 2 : i32
      %mul3A_342 = arith.muli %add3A_340, %mul3A_341 : i32
      %mul3A_343 = arith.constant 16 : i32
      %mul3A_344 = arith.muli %mul3A_342, %mul3A_343 : i32
      %add3A_345 = arith.constant 16 : i32
      %add3A_346 = arith.addi %mul3A_344, %add3A_345 : i32
      %get3A = arith.index_cast %mul3A_338 : i32 to index
      %get3A_347 = tpu.vector_load %arg8[%get3A] {strides = array<i32>} : memref<512xi32, #tpu.memory_space<vmem>>, vector<16xi32>,
      tpu.vector_store_idx %arg6[%get3A_347, %add3A_332], %broadcast_in_dim3A_1 : memref<64x128xf32, #tpu.memory_space<vmem>>[vector<16xi32>, vector<16xi32>], vector<16xf32>,
      %get3A_348 = arith.index_cast %add3A_346 : i32 to index
      %get3A_349 = tpu.vector_load %arg8[%get3A_348] {strides = array<i32>} : memref<512xi32, #tpu.memory_space<vmem>>, vector<16xi32>,
      tpu.vector_store_idx %arg6[%get3A_349, %add3A_332], %broadcast_in_dim3A_1 : memref<64x128xf32, #tpu.memory_space<vmem>>[vector<16xi32>, vector<16xi32>], vector<16xf32>,
      %scan3A_350 = arith.constant 0 : i32
      scf.yield %scan3A_350 : i32
    }
    %scan3A_265 = arith.constant 8 : i32
    %parallel_loop3A_266 = arith.constant 0 : i32
    %parallel_loop3A_267 = arith.constant 8 : i32
    %parallel_loop3A_268 = arith.constant 1 : i32
    scf.for %parallel_loop3A_327 = %parallel_loop3A_266 to %parallel_loop3A_267 step %parallel_loop3A_268  : i32 {
      %parallel_loop3A_328 = arith.constant 16 : i32
      %parallel_loop3A_329 = arith.muli %parallel_loop3A_327, %parallel_loop3A_328 : i32
      %parallel_loop3A_330 = vector.broadcast %parallel_loop3A_329 : i32 to vector<16xi32>
      %parallel_loop3A_331 = arith.addi %parallel_loop3A_330, %iota3A : vector<16xi32>
      %parallel_loop3A_332 = arith.constant 0 : i32
      %parallel_loop3A_333 = arith.index_cast %parallel_loop3A_332 : i32 to index
      %parallel_loop3A_334 = arith.index_cast %parallel_loop3A_329 : i32 to index
      %parallel_loop3A_335 = tpu.vector_load %arg4[%parallel_loop3A_333, %parallel_loop3A_334] {strides = array<i32>} : memref<8x128xf32, #tpu.memory_space<vmem>>, vector<16xf32>,
      %parallel_loop3A_336 = arith.constant 1 : i32
      %parallel_loop3A_337 = arith.index_cast %parallel_loop3A_336 : i32 to index
      %parallel_loop3A_338 = arith.index_cast %parallel_loop3A_329 : i32 to index
      %parallel_loop3A_339 = tpu.vector_load %arg4[%parallel_loop3A_337, %parallel_loop3A_338] {strides = array<i32>} : memref<8x128xf32, #tpu.memory_space<vmem>>, vector<16xf32>,
      %parallel_loop3A_340 = arith.constant 2 : i32
      %parallel_loop3A_341 = arith.index_cast %parallel_loop3A_340 : i32 to index
      %parallel_loop3A_342 = arith.index_cast %parallel_loop3A_329 : i32 to index
      %parallel_loop3A_343 = tpu.vector_load %arg4[%parallel_loop3A_341, %parallel_loop3A_342] {strides = array<i32>} : memref<8x128xf32, #tpu.memory_space<vmem>>, vector<16xf32>,
      %parallel_loop3A_344 = arith.fptosi %parallel_loop3A_343 : vector<16xf32> to vector<16xi32>
      %parallel_loop3A_345 = arith.constant 3 : i32
      %parallel_loop3A_346 = arith.index_cast %parallel_loop3A_345 : i32 to index
      %parallel_loop3A_347 = arith.index_cast %parallel_loop3A_329 : i32 to index
      %parallel_loop3A_348 = tpu.vector_load %arg4[%parallel_loop3A_346, %parallel_loop3A_347] {strides = array<i32>} : memref<8x128xf32, #tpu.memory_space<vmem>>, vector<16xf32>,
      %parallel_loop3A_349 = arith.fptosi %parallel_loop3A_348 : vector<16xf32> to vector<16xi32>
      tpu.vector_store_idx %arg6[%parallel_loop3A_344, %parallel_loop3A_331], %parallel_loop3A_335 : memref<64x128xf32, #tpu.memory_space<vmem>>[vector<16xi32>, vector<16xi32>], vector<16xf32>,
      tpu.vector_store_idx %arg6[%parallel_loop3A_349, %parallel_loop3A_331], %parallel_loop3A_339 : memref<64x128xf32, #tpu.memory_space<vmem>>[vector<16xi32>, vector<16xi32>], vector<16xf32>,
    } {sc.loop_unroll_factor = 4 : i64, sc.parallel_access}
    %mul3A_269 = arith.constant 1024 : i32
    %mul3A_270 = arith.muli %add3A, %mul3A_269 : i32
    %add3A_271 = arith.constant 768 : i32
    %add3A_272 = arith.addi %mul3A_270, %add3A_271 : i32
    %dma_start3A_273 = arith.constant 0 : i32
    %dma_start3A_274 = tpu.memref_slice %arg3[%dma_start3A_273, %add3A_272] : memref<64x32768xf32, #tpu.memory_space<hbm>> -> memref<64x128xf32, #tpu.memory_space<hbm>>
    %dma_start3A_275 = arith.constant 0 : i32
    %dma_start3A_276 = tpu.memref_slice %arg3[%dma_start3A_275, %add3A_272] : memref<64x32768xf32, #tpu.memory_space<hbm>> -> memref<64x128xf32, #tpu.memory_space<hbm>>
    tpu.enqueue_dma source(%arg6 : memref<64x128xf32, #tpu.memory_space<vmem>>) target(%dma_start3A_276 : memref<64x128xf32, #tpu.memory_space<hbm>>) target_semaphore(%arg11 : memref<!tpu.dma_semaphore, #tpu.memory_space<semaphore_mem>>)
    %mul3A_277 = arith.constant 1024 : i32
    %mul3A_278 = arith.muli %add3A, %mul3A_277 : i32
    %add3A_279 = arith.constant 896 : i32
    %add3A_280 = arith.addi %mul3A_278, %add3A_279 : i32
    %dma_wait3A_281 = arith.constant 0 : i32
    %dma_wait3A_282 = tpu.memref_slice %arg2[%dma_wait3A_281, %add3A_280] : memref<8x32768xf32, #tpu.memory_space<hbm>> -> memref<8x128xf32, #tpu.memory_space<hbm>>
    %dma_wait3A_283 = arith.constant 0 : i32
    %dma_wait3A_284 = tpu.memref_slice %arg2[%dma_wait3A_283, %add3A_280] : memref<8x32768xf32, #tpu.memory_space<hbm>> -> memref<8x128xf32, #tpu.memory_space<hbm>>
    tpu.wait_dma2 semaphore(%arg10 : memref<!tpu.dma_semaphore, #tpu.memory_space<semaphore_mem>>) src(%dma_wait3A_284 : memref<8x128xf32, #tpu.memory_space<hbm>>) dst(%arg5 : memref<8x128xf32, #tpu.memory_space<vmem>>)
    %mul3A_285 = arith.constant 1024 : i32
    %mul3A_286 = arith.muli %add3A, %mul3A_285 : i32
    %add3A_287 = arith.constant 640 : i32
    %add3A_288 = arith.addi %mul3A_286, %add3A_287 : i32
    %dma_wait3A_289 = arith.constant 0 : i32
    %dma_wait3A_290 = tpu.memref_slice %arg3[%dma_wait3A_289, %add3A_288] : memref<64x32768xf32, #tpu.memory_space<hbm>> -> memref<64x128xf32, #tpu.memory_space<hbm>>
    %dma_wait3A_291 = arith.constant 0 : i32
    %dma_wait3A_292 = tpu.memref_slice %arg3[%dma_wait3A_291, %add3A_288] : memref<64x32768xf32, #tpu.memory_space<hbm>> -> memref<64x128xf32, #tpu.memory_space<hbm>>
    tpu.wait_dma2 semaphore(%arg12 : memref<!tpu.dma_semaphore, #tpu.memory_space<semaphore_mem>>) src(%arg7 : memref<64x128xf32, #tpu.memory_space<vmem>>) dst(%dma_wait3A_292 : memref<64x128xf32, #tpu.memory_space<hbm>>)
    %scan3A_293 = arith.constant 0 : i32
    %scan3A_294 = arith.constant 0 : i32
    %scan3A_295 = arith.constant 8 : i32
    %scan3A_296 = arith.addi %scan3A_294, %scan3A_295 : i32
    %scan3A_297 = arith.constant 1 : i32
    %scan3A_298 = scf.for %scan3A_327 = %scan3A_294 to %scan3A_296 step %scan3A_297 iter_args(%scan3A_328 = %scan3A_293) -> (i32)  : i32 {
      %mul3A_329 = arith.constant 16 : i32
      %mul3A_330 = arith.muli %scan3A_327, %mul3A_329 : i32
      %add3A_331 = vector.broadcast %mul3A_330 : i32 to vector<16xi32>
      %add3A_332 = arith.addi %add3A_331, %iota3A : vector<16xi32>
      %add3A_333 = arith.constant 8 : i32
      %add3A_334 = arith.addi %add3A_333, %scan3A_327 : i32
      %mul3A_335 = arith.constant 2 : i32
      %mul3A_336 = arith.muli %add3A_334, %mul3A_335 : i32
      %mul3A_337 = arith.constant 16 : i32
      %mul3A_338 = arith.muli %mul3A_336, %mul3A_337 : i32
      %add3A_339 = arith.constant 8 : i32
      %add3A_340 = arith.addi %add3A_339, %scan3A_327 : i32
      %mul3A_341 = arith.constant 2 : i32
      %mul3A_342 = arith.muli %add3A_340, %mul3A_341 : i32
      %mul3A_343 = arith.constant 16 : i32
      %mul3A_344 = arith.muli %mul3A_342, %mul3A_343 : i32
      %add3A_345 = arith.constant 16 : i32
      %add3A_346 = arith.addi %mul3A_344, %add3A_345 : i32
      %get3A = arith.index_cast %mul3A_338 : i32 to index
      %get3A_347 = tpu.vector_load %arg8[%get3A] {strides = array<i32>} : memref<512xi32, #tpu.memory_space<vmem>>, vector<16xi32>,
      tpu.vector_store_idx %arg7[%get3A_347, %add3A_332], %broadcast_in_dim3A_1 : memref<64x128xf32, #tpu.memory_space<vmem>>[vector<16xi32>, vector<16xi32>], vector<16xf32>,
      %get3A_348 = arith.index_cast %add3A_346 : i32 to index
      %get3A_349 = tpu.vector_load %arg8[%get3A_348] {strides = array<i32>} : memref<512xi32, #tpu.memory_space<vmem>>, vector<16xi32>,
      tpu.vector_store_idx %arg7[%get3A_349, %add3A_332], %broadcast_in_dim3A_1 : memref<64x128xf32, #tpu.memory_space<vmem>>[vector<16xi32>, vector<16xi32>], vector<16xf32>,
      %scan3A_350 = arith.constant 0 : i32
      scf.yield %scan3A_350 : i32
    }
    %scan3A_299 = arith.constant 8 : i32
    %parallel_loop3A_300 = arith.constant 0 : i32
    %parallel_loop3A_301 = arith.constant 8 : i32
    %parallel_loop3A_302 = arith.constant 1 : i32
    scf.for %parallel_loop3A_327 = %parallel_loop3A_300 to %parallel_loop3A_301 step %parallel_loop3A_302  : i32 {
      %parallel_loop3A_328 = arith.constant 16 : i32
      %parallel_loop3A_329 = arith.muli %parallel_loop3A_327, %parallel_loop3A_328 : i32
      %parallel_loop3A_330 = vector.broadcast %parallel_loop3A_329 : i32 to vector<16xi32>
      %parallel_loop3A_331 = arith.addi %parallel_loop3A_330, %iota3A : vector<16xi32>
      %parallel_loop3A_332 = arith.constant 0 : i32
      %parallel_loop3A_333 = arith.index_cast %parallel_loop3A_332 : i32 to index
      %parallel_loop3A_334 = arith.index_cast %parallel_loop3A_329 : i32 to index
      %parallel_loop3A_335 = tpu.vector_load %arg5[%parallel_loop3A_333, %parallel_loop3A_334] {strides = array<i32>} : memref<8x128xf32, #tpu.memory_space<vmem>>, vector<16xf32>,
      %parallel_loop3A_336 = arith.constant 1 : i32
      %parallel_loop3A_337 = arith.index_cast %parallel_loop3A_336 : i32 to index
      %parallel_loop3A_338 = arith.index_cast %parallel_loop3A_329 : i32 to index
      %parallel_loop3A_339 = tpu.vector_load %arg5[%parallel_loop3A_337, %parallel_loop3A_338] {strides = array<i32>} : memref<8x128xf32, #tpu.memory_space<vmem>>, vector<16xf32>,
      %parallel_loop3A_340 = arith.constant 2 : i32
      %parallel_loop3A_341 = arith.index_cast %parallel_loop3A_340 : i32 to index
      %parallel_loop3A_342 = arith.index_cast %parallel_loop3A_329 : i32 to index
      %parallel_loop3A_343 = tpu.vector_load %arg5[%parallel_loop3A_341, %parallel_loop3A_342] {strides = array<i32>} : memref<8x128xf32, #tpu.memory_space<vmem>>, vector<16xf32>,
      %parallel_loop3A_344 = arith.fptosi %parallel_loop3A_343 : vector<16xf32> to vector<16xi32>
      %parallel_loop3A_345 = arith.constant 3 : i32
      %parallel_loop3A_346 = arith.index_cast %parallel_loop3A_345 : i32 to index
      %parallel_loop3A_347 = arith.index_cast %parallel_loop3A_329 : i32 to index
      %parallel_loop3A_348 = tpu.vector_load %arg5[%parallel_loop3A_346, %parallel_loop3A_347] {strides = array<i32>} : memref<8x128xf32, #tpu.memory_space<vmem>>, vector<16xf32>,
      %parallel_loop3A_349 = arith.fptosi %parallel_loop3A_348 : vector<16xf32> to vector<16xi32>
      tpu.vector_store_idx %arg7[%parallel_loop3A_344, %parallel_loop3A_331], %parallel_loop3A_335 : memref<64x128xf32, #tpu.memory_space<vmem>>[vector<16xi32>, vector<16xi32>], vector<16xf32>,
      tpu.vector_store_idx %arg7[%parallel_loop3A_349, %parallel_loop3A_331], %parallel_loop3A_339 : memref<64x128xf32, #tpu.memory_space<vmem>>[vector<16xi32>, vector<16xi32>], vector<16xf32>,
    } {sc.loop_unroll_factor = 4 : i64, sc.parallel_access}
    %mul3A_303 = arith.constant 1024 : i32
    %mul3A_304 = arith.muli %add3A, %mul3A_303 : i32
    %add3A_305 = arith.constant 896 : i32
    %add3A_306 = arith.addi %mul3A_304, %add3A_305 : i32
    %dma_start3A_307 = arith.constant 0 : i32
    %dma_start3A_308 = tpu.memref_slice %arg3[%dma_start3A_307, %add3A_306] : memref<64x32768xf32, #tpu.memory_space<hbm>> -> memref<64x128xf32, #tpu.memory_space<hbm>>
    %dma_start3A_309 = arith.constant 0 : i32
    %dma_start3A_310 = tpu.memref_slice %arg3[%dma_start3A_309, %add3A_306] : memref<64x32768xf32, #tpu.memory_space<hbm>> -> memref<64x128xf32, #tpu.memory_space<hbm>>
    tpu.enqueue_dma source(%arg7 : memref<64x128xf32, #tpu.memory_space<vmem>>) target(%dma_start3A_310 : memref<64x128xf32, #tpu.memory_space<hbm>>) target_semaphore(%arg12 : memref<!tpu.dma_semaphore, #tpu.memory_space<semaphore_mem>>)
    %mul3A_311 = arith.constant 1024 : i32
    %mul3A_312 = arith.muli %add3A, %mul3A_311 : i32
    %add3A_313 = arith.constant 768 : i32
    %add3A_314 = arith.addi %mul3A_312, %add3A_313 : i32
    %dma_wait3A_315 = arith.constant 0 : i32
    %dma_wait3A_316 = tpu.memref_slice %arg3[%dma_wait3A_315, %add3A_314] : memref<64x32768xf32, #tpu.memory_space<hbm>> -> memref<64x128xf32, #tpu.memory_space<hbm>>
    %dma_wait3A_317 = arith.constant 0 : i32
    %dma_wait3A_318 = tpu.memref_slice %arg3[%dma_wait3A_317, %add3A_314] : memref<64x32768xf32, #tpu.memory_space<hbm>> -> memref<64x128xf32, #tpu.memory_space<hbm>>
    tpu.wait_dma2 semaphore(%arg11 : memref<!tpu.dma_semaphore, #tpu.memory_space<semaphore_mem>>) src(%arg6 : memref<64x128xf32, #tpu.memory_space<vmem>>) dst(%dma_wait3A_318 : memref<64x128xf32, #tpu.memory_space<hbm>>)
    %mul3A_319 = arith.constant 1024 : i32
    %mul3A_320 = arith.muli %add3A, %mul3A_319 : i32
    %add3A_321 = arith.constant 896 : i32
    %add3A_322 = arith.addi %mul3A_320, %add3A_321 : i32
    %dma_wait3A_323 = arith.constant 0 : i32
    %dma_wait3A_324 = tpu.memref_slice %arg3[%dma_wait3A_323, %add3A_322] : memref<64x32768xf32, #tpu.memory_space<hbm>> -> memref<64x128xf32, #tpu.memory_space<hbm>>
    %dma_wait3A_325 = arith.constant 0 : i32
    %dma_wait3A_326 = tpu.memref_slice %arg3[%dma_wait3A_325, %add3A_322] : memref<64x32768xf32, #tpu.memory_space<hbm>> -> memref<64x128xf32, #tpu.memory_space<hbm>>
    tpu.wait_dma2 semaphore(%arg12 : memref<!tpu.dma_semaphore, #tpu.memory_space<semaphore_mem>>) src(%arg7 : memref<64x128xf32, #tpu.memory_space<vmem>>) dst(%dma_wait3A_326 : memref<64x128xf32, #tpu.memory_space<hbm>>)
    return
  }
}

module attributes {stable_mosaic.version = 14 : i64} {
  func.func @_mlp_body(%arg0: i32, %arg1: memref<4096x768xf32, #tpu.memory_space<vmem>>, %arg2: memref<768x128xf32, #tpu.memory_space<vmem>>, %arg3: memref<1x128xf32, #tpu.memory_space<vmem>>, %arg4: memref<128x64xf32, #tpu.memory_space<vmem>>, %arg5: memref<1x64xf32, #tpu.memory_space<vmem>>, %arg6: memref<8x4096xf32, #tpu.memory_space<vmem>>) attributes {dimension_semantics = [#tpu.dimension_semantics<arbitrary>], iteration_bounds = array<i64: 8>, scalar_prefetch = 0 : i64, scratch_operands = 0 : i64, tpu.core_type = #tpu.core_type<tc>, window_params = [{transform_indices = @transform_0, window_bounds = array<i64: 4096, 768>}, {pipeline_mode = #tpu.pipeline_mode<synchronous>, transform_indices = @transform_1, window_bounds = array<i64: 768, 128>}, {pipeline_mode = #tpu.pipeline_mode<synchronous>, transform_indices = @transform_2, window_bounds = array<i64: 1, 128>}, {pipeline_mode = #tpu.pipeline_mode<synchronous>, transform_indices = @transform_3, window_bounds = array<i64: 128, 64>}, {pipeline_mode = #tpu.pipeline_mode<synchronous>, transform_indices = @transform_4, window_bounds = array<i64: 1, 64>}, {transform_indices = @transform_5, window_bounds = array<i64: 8, 4096>}]} {
    %get3A = arith.constant 0 : index
    %get3A_0 = arith.constant 0 : index
    %get3A_1 = vector.load %arg1[%get3A, %get3A_0] : memref<4096x768xf32, #tpu.memory_space<vmem>>, vector<4096x768xf32>
    %get3A_2 = arith.constant 0 : index
    %get3A_3 = arith.constant 0 : index
    %get3A_4 = vector.load %arg2[%get3A_2, %get3A_3] : memref<768x128xf32, #tpu.memory_space<vmem>>, vector<768x128xf32>
    %dot_general3A = arith.constant dense<0.000000e+00> : vector<4096x128xf32>
    %dot_general3A_5 = tpu.matmul %get3A_1, %get3A_4, %dot_general3A {dimension_numbers = #tpu.dot_dimension_numbers<[1], [0], [0], [1], [0, 0, 1, 1], [], []>, transpose_lhs_hint = false} : vector<4096x768xf32>, vector<768x128xf32>, vector<4096x128xf32> -> vector<4096x128xf32>
    %get3A_6 = arith.constant 0 : index
    %get3A_7 = arith.constant 0 : index
    %get3A_8 = vector.load %arg3[%get3A_6, %get3A_7] : memref<1x128xf32, #tpu.memory_space<vmem>>, vector<1x128xf32>
    %add3A = vector.broadcast %get3A_8 : vector<1x128xf32> to vector<4096x128xf32>
    %add3A_9 = arith.addf %dot_general3A_5, %add3A : vector<4096x128xf32>
    %logistic3A = arith.negf %add3A_9 : vector<4096x128xf32>
    %logistic3A_10 = math.exp %logistic3A : vector<4096x128xf32>
    %logistic3A_11 = arith.constant 1.000000e+00 : f32
    %logistic3A_12 = vector.broadcast %logistic3A_11 : f32 to vector<4096x128xf32>
    %logistic3A_13 = arith.addf %logistic3A_12, %logistic3A_10 : vector<4096x128xf32>
    %logistic3A_14 = arith.divf %logistic3A_12, %logistic3A_13 : vector<4096x128xf32>
    %mul3A = arith.mulf %add3A_9, %logistic3A_14 : vector<4096x128xf32>
    %get3A_15 = arith.constant 0 : index
    %get3A_16 = arith.constant 0 : index
    %get3A_17 = vector.load %arg4[%get3A_15, %get3A_16] : memref<128x64xf32, #tpu.memory_space<vmem>>, vector<128x64xf32>
    %dot_general3A_18 = arith.constant dense<0.000000e+00> : vector<4096x64xf32>
    %dot_general3A_19 = tpu.matmul %mul3A, %get3A_17, %dot_general3A_18 {dimension_numbers = #tpu.dot_dimension_numbers<[1], [0], [0], [1], [0, 0, 1, 1], [], []>, transpose_lhs_hint = false} : vector<4096x128xf32>, vector<128x64xf32>, vector<4096x64xf32> -> vector<4096x64xf32>
    %get3A_20 = arith.constant 0 : index
    %get3A_21 = arith.constant 0 : index
    %get3A_22 = vector.load %arg5[%get3A_20, %get3A_21] : memref<1x64xf32, #tpu.memory_space<vmem>>, vector<1x64xf32>
    %add3A_23 = vector.broadcast %get3A_22 : vector<1x64xf32> to vector<4096x64xf32>
    %add3A_24 = arith.addf %dot_general3A_19, %add3A_23 : vector<4096x64xf32>
    %transpose3A = tpu.transpose %add3A_24, [1, 0] : vector<4096x64xf32> -> vector<64x4096xf32>
    %iota3A = tpu.iota {dimensions = array<i32: 0>} : vector<64x4096xi32>
    %reduce_max3A = arith.constant dense<0xFF800000> : vector<4096xf32>
    %reduce_max3A_25 = vector.multi_reduction <maximumf>, %transpose3A, %reduce_max3A [0] : vector<64x4096xf32> to vector<4096xf32>
    %broadcast_in_dim3A = vector.shape_cast %reduce_max3A_25 : vector<4096xf32> to vector<1x4096xf32>
    %eq3A = vector.broadcast %broadcast_in_dim3A : vector<1x4096xf32> to vector<64x4096xf32>
    %eq3A_26 = arith.cmpf oeq, %transpose3A, %eq3A : vector<64x4096xf32>
    %jit3A = arith.constant 64 : i32
    %broadcast_in_dim3A_27 = vector.broadcast %jit3A : i32 to vector<64x4096xi32>
    %select_n3A = arith.select %eq3A_26, %iota3A, %broadcast_in_dim3A_27 : vector<64x4096xi1>, vector<64x4096xi32>
    %reduce_min3A = arith.constant dense<2147483647> : vector<4096xi32>
    %reduce_min3A_28 = vector.multi_reduction <minsi>, %select_n3A, %reduce_min3A [0] : vector<64x4096xi32> to vector<4096xi32>
    %broadcast_in_dim3A_29 = vector.shape_cast %reduce_min3A_28 : vector<4096xi32> to vector<1x4096xi32>
    %eq3A_30 = vector.broadcast %broadcast_in_dim3A_29 : vector<1x4096xi32> to vector<64x4096xi32>
    %eq3A_31 = arith.cmpi eq, %iota3A, %eq3A_30 : vector<64x4096xi32>
    %jit3A_32 = arith.constant 0xFF800000 : f32
    %broadcast_in_dim3A_33 = vector.broadcast %jit3A_32 : f32 to vector<64x4096xf32>
    %select_n3A_34 = arith.select %eq3A_31, %broadcast_in_dim3A_33, %transpose3A : vector<64x4096xi1>, vector<64x4096xf32>
    %reduce_max3A_35 = arith.constant dense<0xFF800000> : vector<4096xf32>
    %reduce_max3A_36 = vector.multi_reduction <maximumf>, %select_n3A_34, %reduce_max3A_35 [0] : vector<64x4096xf32> to vector<4096xf32>
    %broadcast_in_dim3A_37 = vector.shape_cast %reduce_max3A_36 : vector<4096xf32> to vector<1x4096xf32>
    %eq3A_38 = vector.broadcast %broadcast_in_dim3A_37 : vector<1x4096xf32> to vector<64x4096xf32>
    %eq3A_39 = arith.cmpf oeq, %select_n3A_34, %eq3A_38 : vector<64x4096xf32>
    %jit3A_40 = arith.constant 64 : i32
    %broadcast_in_dim3A_41 = vector.broadcast %jit3A_40 : i32 to vector<64x4096xi32>
    %select_n3A_42 = arith.select %eq3A_39, %iota3A, %broadcast_in_dim3A_41 : vector<64x4096xi1>, vector<64x4096xi32>
    %reduce_min3A_43 = arith.constant dense<2147483647> : vector<4096xi32>
    %reduce_min3A_44 = vector.multi_reduction <minsi>, %select_n3A_42, %reduce_min3A_43 [0] : vector<64x4096xi32> to vector<4096xi32>
    %broadcast_in_dim3A_45 = vector.shape_cast %reduce_min3A_44 : vector<4096xi32> to vector<1x4096xi32>
    %sub3A = arith.subf %broadcast_in_dim3A_37, %broadcast_in_dim3A : vector<1x4096xf32>
    %exp3A = math.exp %sub3A : vector<1x4096xf32>
    %add3A_46 = arith.constant 1.000000e+00 : f32
    %add3A_47 = vector.broadcast %add3A_46 : f32 to vector<1x4096xf32>
    %add3A_48 = arith.addf %add3A_47, %exp3A : vector<1x4096xf32>
    %div3A = arith.constant 1.000000e+00 : f32
    %div3A_49 = vector.broadcast %div3A : f32 to vector<1x4096xf32>
    %div3A_50 = arith.divf %div3A_49, %add3A_48 : vector<1x4096xf32>
    %swap3A = arith.constant 0 : index
    %swap3A_51 = arith.constant 0 : index
    %swap3A_52 = vector.load %arg6[%swap3A, %swap3A_51] : memref<8x4096xf32, #tpu.memory_space<vmem>>, vector<1x4096xf32>
    tpu.vector_store %arg6[%swap3A, %swap3A_51], %div3A_50 {strides = array<i32>} : memref<8x4096xf32, #tpu.memory_space<vmem>>, vector<1x4096xf32>,
    %div3A_53 = arith.divf %exp3A, %add3A_48 : vector<1x4096xf32>
    %swap3A_54 = arith.constant 1 : index
    %swap3A_55 = arith.constant 0 : index
    %swap3A_56 = vector.load %arg6[%swap3A_54, %swap3A_55] : memref<8x4096xf32, #tpu.memory_space<vmem>>, vector<1x4096xf32>
    tpu.vector_store %arg6[%swap3A_54, %swap3A_55], %div3A_53 {strides = array<i32>} : memref<8x4096xf32, #tpu.memory_space<vmem>>, vector<1x4096xf32>,
    %convert_element_type3A = arith.sitofp %broadcast_in_dim3A_29 : vector<1x4096xi32> to vector<1x4096xf32>
    %swap3A_57 = arith.constant 2 : index
    %swap3A_58 = arith.constant 0 : index
    %swap3A_59 = vector.load %arg6[%swap3A_57, %swap3A_58] : memref<8x4096xf32, #tpu.memory_space<vmem>>, vector<1x4096xf32>
    tpu.vector_store %arg6[%swap3A_57, %swap3A_58], %convert_element_type3A {strides = array<i32>} : memref<8x4096xf32, #tpu.memory_space<vmem>>, vector<1x4096xf32>,
    %convert_element_type3A_60 = arith.sitofp %broadcast_in_dim3A_45 : vector<1x4096xi32> to vector<1x4096xf32>
    %swap3A_61 = arith.constant 3 : index
    %swap3A_62 = arith.constant 0 : index
    %swap3A_63 = vector.load %arg6[%swap3A_61, %swap3A_62] : memref<8x4096xf32, #tpu.memory_space<vmem>>, vector<1x4096xf32>
    tpu.vector_store %arg6[%swap3A_61, %swap3A_62], %convert_element_type3A_60 {strides = array<i32>} : memref<8x4096xf32, #tpu.memory_space<vmem>>, vector<1x4096xf32>,
    return
  }
  func.func @transform_0(%arg0: i32) -> (i32, i32) {
    %add3A = arith.constant 0 : i32
    %add3A_0 = arith.addi %add3A, %arg0 : i32
    %c0_i32 = arith.constant 0 : i32
    %c0_i32_1 = arith.constant 0 : i32
    return %add3A_0, %c0_i32 : i32, i32
  }
  func.func @transform_1(%arg0: i32) -> (i32, i32) {
    %c0_i32 = arith.constant 0 : i32
    %c0_i32_0 = arith.constant 0 : i32
    %c0_i32_1 = arith.constant 0 : i32
    return %c0_i32, %c0_i32_0 : i32, i32
  }
  func.func @transform_2(%arg0: i32) -> (i32, i32) {
    %c0_i32 = arith.constant 0 : i32
    %c0_i32_0 = arith.constant 0 : i32
    %c0_i32_1 = arith.constant 0 : i32
    return %c0_i32, %c0_i32_0 : i32, i32
  }
  func.func @transform_3(%arg0: i32) -> (i32, i32) {
    %c0_i32 = arith.constant 0 : i32
    %c0_i32_0 = arith.constant 0 : i32
    %c0_i32_1 = arith.constant 0 : i32
    return %c0_i32, %c0_i32_0 : i32, i32
  }
  func.func @transform_4(%arg0: i32) -> (i32, i32) {
    %c0_i32 = arith.constant 0 : i32
    %c0_i32_0 = arith.constant 0 : i32
    %c0_i32_1 = arith.constant 0 : i32
    return %c0_i32, %c0_i32_0 : i32, i32
  }
  func.func @transform_5(%arg0: i32) -> (i32, i32) {
    %c0_i32 = arith.constant 0 : i32
    %c0_i32_0 = arith.constant 0 : i32
    return %c0_i32, %arg0 : i32, i32
  }
}

</mosaic_0001>

<sc_bundles>
// kernel: kernel.4.cloned.1.call-start
scs
__scs_entry_jumppad:
0x0: {  	(pc) =	sbr.rel $0x88, $3  }
0x1: {  	(tag) =	ssettag $0x0;
	lr =	simm.s32 $0x1  }
0x2: {  	[smem:$0x3F9C] =	sst lr;
	_ =	strace $0xD0000000  }
0x3: {  	_ = 	snop  }
0x4: {  	_ = 	snop  }
0x5: {  	_ = 	snop  }
0x6: {  	_ = 	snop  }
0x7: {  	_ = 	snop  }
__scs_overlays_trampoline_lowered:
0x8: {  	[smem:$0x3FAB] =	sst s0  }
0x9: {  	[smem:$0x3FAC] =	sst s1  }
0xa: {  	[smem:$0x3FAD] =	sst s2  }
0xb: {  	[smem:$0x3FAE] =	sst s3  }
0xc: {  	[smem:$0x3FAF] =	sst s4  }
0xd: {  	[smem:$0x3FB0] =	sst s5  }
0xe: {  	[smem:$0x3FB1] =	sst s6  }
0xf: {  	[smem:$0x3FB2] =	sst s7  }
0x10: {  	[smem:$0x3FB3] =	sst s8  }
0x11: {  	[smem:$0x3FB4] =	sst s9;
	s0 =	simm.s32 @!p0 $0x0  }
0x12: {  	s1 =	sld [smem:$0x3F9A];
	s0 =	simm.s32 @p0 $0x1  }
0x13: {  	[smem:$0x3FB5] =	sst s0;
	s0 =	simm.s32 @!p1 $0x0  }
0x14: {  	s2 =	sld [smem:$0x3F99];
	s0 =	simm.s32 @p1 $0x1  }
0x15: {  	[smem:$0x3FB6] =	sst s0;
	s0 =	simm.s32 @!p2 $0x0  }
0x16: {  	s3 =	sld [smem:$0x3FDB];
	s0 =	simm.s32 @p2 $0x1  }
0x17: {  	s4 =	simm.s32 $0x1BF5;
	[smem:$0x3FB8] =	sst s0  }
0x18: {  	s0 =	sld [smem:$0x3F9B];
	_ =	swait.ge [sflag:s4], $0x0  }
0x19: {  	s7 =	sld [smem:$0x3F9C]  }
0x1a: {  	s8 =	sadd.s32 $0xFFFFE003, lr  }
0x1b: {  	s9 =	sadd.s32 $0xFFFFFEF7, lr;
	s5 =	simm.s32 $0xFFFFFFFF;
	p2 =	slt.u32 s8, $0xFFFFF086  }
0x1c: {  	p1 =	slt.u32 s9, $0xF7A;
	s5 =	simm.s32 @!p2 $0x0  }
0x1d: {  	s5 =	simm.s32 @p1 $0x1;
	p0 =	seq.s32 s7, s2  }
0x1e: {  	s7 =	smul.u32 @!p0 $0xF7A, s2;
	p2 =	seq.s32 @!p0 s5, $0x0  }
0x1f: {  	s9 =	smul.u32 $0xF7A, s1;
	s8 =	simm.s32 @!p0 $0x1BF5;
	p2 =	por !p2, p0  }
0x20: {  	[sflag:s8] =	ssyncset.s32 @!p0 $0xFFFFF086;
	s6 =	sadd.s32 @!p0 s3, s7;
	s7 =	simm.s32 @!p0 $0x108  }
0x21: {  	s3 =	sadd.s32 s3, s9;
	s6 =	sadd.s32 @!p0 $0x88, s6;
	s7 =	simm.s32 @p2 $0x1082  }
0x22: {  	[simem:s7], [sflag:s8] =	dma.local @!p0 [hbm:s6], $0xF7A  }
0x23: {  	s9 =	sor.u32 $0xD0000000, s2;
	s6 =	simm.s32 $0x108;
	_ =	swait.ge @!p0 [sflag:s8], $0x0  }
0x24: {  	s3 =	sadd.s32 $0x88, s3;
	s6 =	simm.s32 @!p1 $0x1082;
	[sflag:s4] =	ssyncset.s32 $0xFFFFF086  }
0x25: {  	[simem:s6], [sflag:s4] =	dma.local [hbm:s3], $0xF7A  }
0x26: {  	[smem:$0x3F9C] =	sst s1;
	(tag) =	ssettag s2;
	_ =	strace s9  }
0x27: {  	s1 =	sld [smem:$0x3FAC]  }
0x28: {  	s2 =	sld [smem:$0x3FAD]  }
0x29: {  	s4 =	sld [smem:$0x3FAF]  }
0x2a: {  	p0 =	seq.s32 s5, $0x0;
	s5 =	sld [smem:$0x3FB0]  }
0x2b: {  	s6 =	sld [smem:$0x3FB1]  }
0x2c: {  	s7 =	sld [smem:$0x3FB2]  }
0x2d: {  	s3 =	simm.s32 $0x108;
	s8 =	sld [smem:$0x3FB3]  }
0x2e: {  	s3 =	simm.s32 @!p0 $0x1082;
	s9 =	sld [smem:$0x3FB4]  }
0x2f: {  	lr =	sadd.s32 s0, s3;
	s0 =	sld [smem:$0x3FAB]  }
0x30: {  	s3 =	sld [smem:$0x3FAE]  }
0x31: {  	[smem:$0x3FB7] =	sst s10  }
0x32: {  	s10 =	sld [smem:$0x3FB5];
	_ =	sdelay $0x3  }
0x33: {  	p0 =	seq.s32 s10, $0x1;
	s10 =	sld [smem:$0x3FB7];
	_ =	sdelay $0x3  }
0x34: {  	[smem:$0x3FB7] =	sst s10  }
0x35: {  	s10 =	sld [smem:$0x3FB6];
	_ =	sdelay $0x3  }
0x36: {  	p1 =	seq.s32 s10, $0x1;
	s10 =	sld [smem:$0x3FB7];
	_ =	sdelay $0x3  }
0x37: {  	[smem:$0x3FB7] =	sst s10  }
0x38: {  	s10 =	sld [smem:$0x3FB8]  }
0x39: {  	_ = 	snop;
	(pc) =	sbr.ind lr, $3  }
0x3a: {  	_ = 	snop  }
0x3b: {  	_ = 	snop  }
0x3c: {  	p2 =	seq.s32 s10, $0x1;
	s10 =	sld [smem:$0x3FB7]  }
0x3d: {  	_ =	shalt  }
0x3e: {  	_ =	shalt  }
0x3f: {  	_ =	shalt  }
0x40: {  	_ =	shalt  }
0x41: {  	_ =	shalt  }
0x42: {  	_ =	shalt  }
0x43: {  	_ =	shalt  }
0x44: {  	_ =	shalt  }
0x45: {  	_ =	shalt  }
0x46: {  	_ =	shalt  }
0x47: {  	_ =	shalt  }
0x48: {  	_ =	shalt  }
0x49: {  	_ =	shalt  }
0x4a: {  	_ =	shalt  }
0x4b: {  	_ =	shalt  }
0x4c: {  	_ =	shalt  }
0x4d: {  	_ =	shalt  }
0x4e: {  	_ =	shalt  }
0x4f: {  	_ =	shalt  }
0x50: {  	_ =	shalt  }
0x51: {  	_ =	shalt  }
0x52: {  	_ =	shalt  }
0x53: {  	_ =	shalt  }
0x54: {  	_ =	shalt  }
0x55: {  	_ =	shalt  }
0x56: {  	_ =	shalt  }
0x57: {  	_ =	shalt  }
0x58: {  	_ =	shalt  }
0x59: {  	_ =	shalt  }
0x5a: {  	_ =	shalt  }
0x5b: {  	_ =	shalt  }
0x5c: {  	_ =	shalt  }
0x5d: {  	_ =	shalt  }
0x5e: {  	_ =	shalt  }
0x5f: {  	_ =	shalt  }
0x60: {  	_ =	shalt  }
0x61: {  	_ =	shalt  }
0x62: {  	_ =	shalt  }
0x63: {  	_ =	shalt  }
0x64: {  	_ =	shalt  }
0x65: {  	_ =	shalt  }
0x66: {  	_ =	shalt  }
0x67: {  	_ =	shalt  }
0x68: {  	_ =	shalt  }
0x69: {  	_ =	shalt  }
0x6a: {  	_ =	shalt  }
0x6b: {  	_ =	shalt  }
0x6c: {  	_ =	shalt  }
0x6d: {  	_ =	shalt  }
0x6e: {  	_ =	shalt  }
0x6f: {  	_ =	shalt  }
0x70: {  	_ =	shalt  }
0x71: {  	_ =	shalt  }
0x72: {  	_ =	shalt  }
0x73: {  	_ =	shalt  }
0x74: {  	_ =	shalt  }
0x75: {  	_ =	shalt  }
0x76: {  	_ =	shalt  }
0x77: {  	_ =	shalt  }
0x78: {  	_ =	shalt  }
0x79: {  	_ =	shalt  }
0x7a: {  	_ =	shalt  }
0x7b: {  	_ =	shalt  }
0x7c: {  	_ =	shalt  }
0x7d: {  	_ =	shalt  }
0x7e: {  	_ =	shalt  }
0x7f: {  	_ =	shalt  }
0x80: {  	_ =	shalt  }
0x81: {  	_ =	shalt  }
0x82: {  	_ =	shalt  }
0x83: {  	_ =	shalt  }
0x84: {  	_ =	shalt  }
0x85: {  	_ =	shalt  }
0x86: {  	_ =	shalt  }
0x87: {  	_ =	shalt  }
.Lfunc_end0:
.L_simem_size_0:
called_computation_lowered:
.L_overlay_start_0:
0x88: {  	s2 =	sld [smem:$0x3FD9]  }
0x89: {  	s3 =	sld [smem:$0x3FFE];
	_ =	sdelay $0x1  }
0x8a: {  	s1 =	srdreg.scid  }
0x8b: {  	s0 =	sand.u32 $0x1, s1  }
0x8c: {  	s17 =	sshll.u32 s0, $0xA;
	s2 =	sadd.s32 s3, s2  }
0x8d: {  	s2 =	sadd.s32 s2, s17  }
0x8e: {  	[smem:$0x3FC3] =	sst s2  }
0x8f: {  	_ = 	snop  }
0x90: {  	s2 =	sld [smem:$0x3FD0];
	(tm) =	ssettm $0x1  }
0x91: {  	s18 =	sld [smem:$0x3FFB];
	_ =	sdelay $0x3  }
0x92: {  	_ =	strace s18  }
0x93: {  	s3 =	sld [smem:$0x3FFC];
	_ =	sdelay $0x3  }
0x94: {  	_ =	strace s3  }
0x95: {  	s3 =	sld [smem:$0x3FFD];
	_ =	sdelay $0x3  }
0x96: {  	_ =	strace s3  }
0x97: {  	_ =	strace $0x8FFFFFFF  }
0x98: {  	s19 =	sld [smem:$0x3FDB];
	_ =	sdelay $0x1  }
0x99: {  	s4 =	simm.s32 $_scs_section_size  }
0x9a: {  	s5 =	simm.s32 $_size__tile_overlayer_lowered;
	s6 =	simm.s32 $_tile_overlayer_lowered  }
0x9b: {  	s22 =	simm.s32 $0x1BFF;
	s21 =	sshll.u32 s6, $0x1;
	s3 =	sadd.s32 s4, s19  }
0x9c: {  	s7 =	simm.s32 $0x0;
	s20 =	sshll.u32 s5, $0x1;
	s5 =	sadd.s32 s21, s3  }
0x9d: {  	[timem:s7], [sflag:s22] =	dma.local [hbm:s5], s20  }
0x9e: {  	_ =	swait.ge [sflag:s22], s20  }
0x9f: {  	s4 =	ssub.s32 $0x0, s20;
	[sflag:s22] =	ssyncset.done $0x0  }
0xa0: {  	[sflag:s22] =	ssyncadd.s32 s4;
	_ =	sdelay $0x1  }
0xa1: {  	s23 =	simm.s32 $0x1B8B  }
0xa2: {  	_ =	swait.ge [sflag:s23], $0x1  }
0xa3: {  	[sflag:s23] =	ssyncset.done $0x0  }
0xa4: {  	s25 =	simm.s32 $0x1B8E;
	s24 =	sld [smem:$0x3FFE];
	[sflag:s23] =	ssyncadd.s32 $0xFFFFFFFF  }
0xa5: {  	s26 =	simm.s32 $execute0_lowered;
	[smem:$0x3FD2] =	sst s25  }
0xa6: {  	s5 =	sshll.u32 s26, $0x1;
	_ =	strace $0x80000046;
	[dreg:$0x1] =	wrdreg $0xFFFFFFFF  }
0xa7: {  	s28 =	simm.s32 $_size_execute0_lowered;
	s3 =	sadd.s32 s3, s5;
	[dreg:$0x0] =	wrdreg $0x0  }
0xa8: {  	s5 =	sshll.u32 s28, $0x1;
	[dreg:$0x2] =	wrdreg s3  }
0xa9: {  	[dreg:$0x3] =	wrdreg s5  }
0xaa: {  	[dreg:$0x4] =	wrdreg $0xC0  }
0xab: {  	_ =	task [dreg:s7], $0x5FFFF  }
0xac: {  	[dreg:$0x1] =	wrdreg $0xFFFFFFFF  }
0xad: {  	[dreg:$0x0] =	wrdreg $0x60  }
0xae: {  	[dreg:$0x2] =	wrdreg s24  }
0xaf: {  	[dreg:$0x3] =	wrdreg s2  }
0xb0: {  	[dreg:$0x4] =	wrdreg $0x9  }
0xb1: {  	_ =	task.clear_ibuf [dreg:s7], $0x5FFFF;
	_ =	strace $0x90000046  }
0xb2: {  	s29 =	simm.s32 $0x9;
	_ =	strace $0x80000048  }
0xb3: {  	_ =	swait.ge [sflag:s29], $0x1  }
0xb4: {  	[sflag:s29] =	ssyncadd.s32 $0xFFFFFFFF  }
0xb5: {  	_ =	strace $0x90000048  }
0xb6: {  	_ =	sfence  }
0xb7: {  	s30 =	sld [smem:$0x0];
	_ =	sdelay $0x2  }
0xb8: {  	s31 =	sshll.u32 s1, $0xD;
	s1 =	sshrl.u32 s1, $0x2  }
0xb9: {  	s3 =	sand.u32 $0x4000, s31;
	s1 =	sadd.s32 s1, s30  }
0xba: {  	s0 =	sor.u32 s3, s0;
	s1 =	sshll.u32 s1, $0x11  }
0xbb: {  	s0 =	sor.u32 s1, s0  }
0xbc: {  	s0 =	sadd.s32 $0x8F2B, s0  }
0xbd: {  	[sflag:s0] =	ssyncadd.remote.s32 $0x1  }
0xbe: {  	_ =	sfence.sel $0xFFFF  }
0xbf: {  	[dreg:$0x0] =	wrdreg $0xFFFFFFFF;
	(pc) =	sbr.abs _section_cstart, $3  }
0xc0: {  	[dreg:$0x1] =	wrdreg $0xFFFFFFFF  }
0xc1: {  	_ =	task.clear_ibuf [dreg:s7], $0x2FFFF;
	_ =	strace $0x9FFFFFFF  }
0xc2: {  	(tm) =	ssettm $0x7FFFFFFF  }
0xc3: {  	_ =	shalt  }
tec
execute0_lowered:
.L_overlay_start_1:
0x0: {  	(tag) =	ssettag $0x1  }
0x1: {  	s0 =	rddreg [dreg:$0x0]  }
0x2: {  	s18 =	rddreg [dreg:$0x1];
	s2 =	simm.s32 $0x0;
	s3 =	srdreg.scid  }
0x3: {  	s1 =	stileid.u32;
	s21 =	simm.s32 $0x1;
	s22 =	simm.s32 $0x800  }
0x4: {  	s23 =	simm.s32 $0x40000;
	s24 =	simm.s32 $0x2;
	s25 =	simm.s32 $0x2800  }
0x5: {  	s26 =	simm.s32 $0x3;
	s28 =	simm.s32 $0x4;
	s3 =	sand.u32 $0x1, s3  }
0x6: {  	[smem:$0x7FF] =	sst s2;
	s5 =	sshll.u32 s1, $0xB;
	s4 =	ssub.s32 $0x2, s3  }
0x7: {  	s0 =	sadd.s32 $0xC00, s0;
	s3 =	sshll.u32 s3, $0xA;
	s6 =	sshrl.u32 s4, $0x1  }
0x8: {  	_ =	strace $0x80000047;
	s16 =	sor.u32 s3, s5;
	s19 =	ssub.s32 s4, s6  }
0x9: {  	s30 =	sadd.s32 s0, s16;
	s7 =	sor.u32 $0x80, s16;
	s5 =	sadd.s32 s18, s16  }
0xa: {  	s9 =	sor.u32 $0x100, s16;
	s11 =	sor.u32 $0x180, s16;
	s13 =	sor.u32 $0x200, s16  }
0xb: {  	s15 =	sor.u32 $0x280, s16;
	s17 =	sor.u32 $0x300, s16;
	s20 =	sor.u32 $0x380, s16  }
0xc: {  	[dreg:$0x3] =	wrdreg s30;
	s31 =	sadd.s32 s0, s7;
	s6 =	sadd.s32 s0, s9  }
0xd: {  	s7 =	sadd.s32 s18, s7;
	s8 =	sadd.s32 s0, s11;
	s9 =	sadd.s32 s18, s9  }
0xe: {  	s10 =	sadd.s32 s0, s13;
	s11 =	sadd.s32 s18, s11;
	s12 =	sadd.s32 s0, s15  }
0xf: {  	s13 =	sadd.s32 s18, s13;
	s14 =	sadd.s32 s0, s17;
	s15 =	sadd.s32 s18, s15  }
0x10: {  	s16 =	sadd.s32 s0, s20;
	s17 =	sadd.s32 s18, s17;
	s18 =	sadd.s32 s18, s20  }
0x11: {  	v0 =	vimm.f32 $0.0e+00;
	v1 =	vlaneseq.u32;
	s19 =	smax.u32 s19, $0x1;
	s20 =	simm.s32 $0x400;
	[dreg:$0x4] =	wrdreg s31  }
.LBB2_1:
0x12: {  	s29 =	simm.s32 $0x40;
	s0 =	simm.s32 $0x0  }
.LBB2_2:
0x13: {  	p0 =	sne.s32 s29, $0x7FC0;
	[tilespmem:s0+$0x800] =	vst v0;
	s30 =	smov.u32 s29;
	s29 =	sadd.s32 $0x40, s29  }
.Ltmp0:
0x14: {  	[tilespmem:s0+$0x2800] =	vst v0;
	(pc) =	sbr.rel @p0 .LBB2_2-.Ltmp0, $2  }
0x15: {  	_ =	sdelay $0x2  }
0x16: {  	s0 =	sshra.s32 s30, $0x2  }
0x17: {  	[tilespmem:s0+$0x800] =	vst v0  }
0x18: {  	[tilespmem:s0+$0x2800] =	vst v0;
	s30 =	simm.s32 $0x0;
	s29 =	rddreg [dreg:$0x3]  }
0x19: {  	[tilespmem:s30], [sflag:$0x1] =	stream.linear.gather [hbm4b:s29+s30], $0x400, $0x38;
	[tilespmem:$0x4A00] =	vst v63  }
0x1a: {  	s31 =	rddreg [dreg:$0x4]  }
0x1b: {  	[tilespmem:s20], [sflag:$0x2] =	stream.linear.gather [hbm4b:s31+s30], $0x400, $0x38;
	[tilespmem:$0x4A00] =	vst v63  }
0x1c: {  	_ =	swait.ge [sflag:s21], $0x400  }
0x1d: {  	[sflag:s21] =	ssyncset.done $0x0  }
0x1e: {  	p0 =	por $0x1, $0x1;
	[sflag:s21] =	ssyncadd.s32 $0xFFFFFC00  }
.LBB2_4:
0x1f: {  	s0 =	sshll.u32 s30, $0x4  }
0x20: {  	v2 =	vld [tilespmem:s0+$0x100]  }
0x21: {  	v3 =	vld [tilespmem:s0+$0x180]  }
0x22: {  	s31 =	sor.u32 $0x1, s30  }
0x23: {  	s29 =	sor.u32 $0x2, s30;
	s1 =	sshll.u32 s31, $0x4  }
0x24: {  	s3 =	sshll.u32 s29, $0x4;
	v4 =	vld [tilespmem:s1+$0x100]  }
0x25: {  	v6 =	vld [tilespmem:s3+$0x100];
	v2 =	vtrunc.f32 v2  }
0x26: {  	v5 =	vld [tilespmem:s1+$0x180];
	v3 =	vtrunc.f32 v3;
	v2 =	vcvt.f32.s32 v2  }
0x27: {  	v7 =	vld [tilespmem:s3+$0x180];
	v3 =	vcvt.f32.s32 v3  }
0x28: {  	v8 =	vor.u32 s0, v1;
	v10 =	vld [tilespmem:s0+$0x0];
	v50 =	vor.u32 s1, v1;
	v9 =	vshll.u32 v2, $0x7  }
0x29: {  	v12 =	vld [tilespmem:s0+$0x80];
	v4 =	vtrunc.f32 v4;
	v11 =	vshll.u32 v3, $0x7;
	v9 =	vor.u32 v8, v9  }
0x2a: {  	s0 =	sor.u32 $0x3, s30;
	v13 =	vld [tilespmem:s1+$0x0];
	v6 =	vtrunc.f32 v6;
	v4 =	vcvt.f32.s32 v4;
	v8 =	vor.u32 v8, v11  }
0x2b: {  	s4 =	sshll.u32 s0, $0x4;
	v18 =	vld [tilespmem:s1+$0x80];
	v52 =	vor.u32 s3, v1;
	v5 =	vtrunc.f32 v5;
	v6 =	vcvt.f32.s32 v6  }
0x2c: {  	v15 =	vld [tilespmem:s4+$0x100];
	v7 =	vtrunc.f32 v7;
	v5 =	vcvt.f32.s32 v5;
	v14 =	vshll.u32 v4, $0x7  }
0x2d: {  	v17 =	vld [tilespmem:s4+$0x180];
	v7 =	vcvt.f32.s32 v7;
	v53 =	vshll.u32 v6, $0x7;
	v14 =	vor.u32 v50, v14  }
0x2e: {  	s1 =	sshll.u32 s30, $0x5;
	v54 =	vld [tilespmem:s3+$0x0];
	v16 =	vshll.u32 v5, $0x7;
	v11 =	vor.u32 v52, v53;
	[tilespmem:v9+s22+$0x0] =	vst.idx.msk $0xffff, v10  }
0x2f: {  	s1 =	sand.u32 $0x3FFFFFE0, s1;
	v55 =	vshll.u32 v7, $0x7;
	v51 =	vor.u32 v50, v16;
	[tilespmem:v8+s22+$0x0] =	vst.idx.msk $0xffff, v12  }
0x30: {  	v56 =	vld [tilespmem:s3+$0x80];
	[tilespmem:s1+$0x4800] =	vst v2;
	v2 =	vor.u32 v52, v55  }
0x31: {  	[tilespmem:s1+$0x4810] =	vst v3;
	v3 =	vtrunc.f32 v15  }
0x32: {  	v57 =	vtrunc.f32 v17;
	[tilespmem:v14+s22+$0x0] =	vst.idx.msk $0xffff, v13;
	v3 =	vcvt.f32.s32 v3  }
0x33: {  	v58 =	vcvt.f32.s32 v57;
	[tilespmem:v11+s22+$0x0] =	vst.idx.msk $0xffff, v54  }
0x34: {  	v59 =	vor.u32 s4, v1;
	[tilespmem:v51+s22+$0x0] =	vst.idx.msk $0xffff, v18;
	v60 =	vshll.u32 v3, $0x7  }
0x35: {  	s3 =	sshll.u32 s31, $0x5;
	v61 =	vshll.u32 v58, $0x7;
	v10 =	vor.u32 v59, v60;
	[tilespmem:v2+s22+$0x0] =	vst.idx.msk $0xffff, v56;
	v2 =	vld [tilespmem:s4+$0x0]  }
0x36: {  	v62 =	vld [tilespmem:s4+$0x80];
	v63 =	vor.u32 v59, v61;
	s1 =	sor.u32 $0x30, s3;
	[tilespmem:s3+$0x4800] =	vst v4  }
0x37: {  	s31 =	sshll.u32 s29, $0x5;
	[tilespmem:s1+$0x4800] =	vst v5  }
0x38: {  	p1 =	por p0, p0;
	s1 =	sor.u32 $0x50, s31;
	[tilespmem:s31+$0x4800] =	vst v6  }
.Ltmp1:
0x39: {  	[tilespmem:s1+$0x4800] =	vst v7;
	(pc) =	sbr.rel @p1 .LBB2_4-.Ltmp1, $4  }
0x3a: {  	[tilespmem:v10+s22+$0x0] =	vst.idx.msk $0xffff, v2  }
0x3b: {  	s0 =	sshll.u32 s0, $0x5;
	[tilespmem:v63+s22+$0x0] =	vst.idx.msk $0xffff, v62  }
0x3c: {  	[tilespmem:s0+$0x4800] =	vst v3;
	s0 =	sor.u32 $0x70, s0  }
0x3d: {  	p0 =	por $0x0, $0x0;
	s30 =	simm.s32 $0x4;
	[tilespmem:s0+$0x4800] =	vst v58  }
0x3e: {  	[hbm4b:s5+s20] =	stream.strided.scatter [tilespmem:s22], [sflag:$0x3], $0x2000, s23, s20, $0x38;
	[tilespmem:$0x4A00] =	vst v63  }
0x3f: {  	s30 =	simm.s32 $0x0  }
0x40: {  	[tilespmem:s30], [sflag:$0x1] =	stream.linear.gather [hbm4b:s6+s30], $0x400, $0x38;
	[tilespmem:$0x4A00] =	vst v63  }
0x41: {  	_ =	swait.ge [sflag:s24], $0x400  }
0x42: {  	[sflag:s24] =	ssyncset.done $0x0  }
0x43: {  	p0 =	por $0x1, $0x1;
	[sflag:s24] =	ssyncadd.s32 $0xFFFFFC00  }
.LBB2_6:
0x44: {  	s29 =	sshll.u32 s30, $0x4  }
0x45: {  	v2 =	vld [tilespmem:s29+$0x500]  }
0x46: {  	v4 =	vld [tilespmem:s29+$0x510]  }
0x47: {  	v3 =	vld [tilespmem:s29+$0x580]  }
0x48: {  	v5 =	vld [tilespmem:s29+$0x590];
	_ =	sdelay $0x1  }
0x49: {  	v2 =	vtrunc.f32 v2  }
0x4a: {  	v6 =	vld [tilespmem:s29+$0x520];
	v7 =	vor.u32 s29, v1;
	s0 =	sor.u32 $0x10, s29;
	v4 =	vtrunc.f32 v4;
	v2 =	vcvt.f32.s32 v2  }
0x4b: {  	v8 =	vld [tilespmem:s29+$0x5A0];
	v49 =	vor.u32 s0, v1;
	v3 =	vtrunc.f32 v3;
	v4 =	vcvt.f32.s32 v4  }
0x4c: {  	v9 =	vld [tilespmem:s29+$0x400];
	v5 =	vtrunc.f32 v5;
	v3 =	vcvt.f32.s32 v3;
	v10 =	vshll.u32 v2, $0x7  }
0x4d: {  	v11 =	vld [tilespmem:s29+$0x480];
	v5 =	vcvt.f32.s32 v5;
	v14 =	vshll.u32 v4, $0x7;
	v10 =	vor.u32 v7, v10  }
0x4e: {  	v13 =	vld [tilespmem:s29+$0x410];
	v12 =	vshll.u32 v3, $0x7;
	v14 =	vor.u32 v49, v14  }
0x4f: {  	v15 =	vld [tilespmem:s29+$0x490];
	v16 =	vshll.u32 v5, $0x7;
	v7 =	vor.u32 v7, v12  }
0x50: {  	v50 =	vld [tilespmem:s29+$0x530];
	v6 =	vtrunc.f32 v6;
	v12 =	vor.u32 v49, v16  }
0x51: {  	v17 =	vld [tilespmem:s29+$0x5B0];
	v6 =	vcvt.f32.s32 v6  }
0x52: {  	s4 =	sor.u32 $0x20, s29;
	v8 =	vtrunc.f32 v8;
	[tilespmem:v10+s25+$0x0] =	vst.idx.msk $0xffff, v9  }
0x53: {  	v51 =	vor.u32 s4, v1;
	v8 =	vcvt.f32.s32 v8;
	v52 =	vshll.u32 v6, $0x7;
	[tilespmem:v14+s25+$0x0] =	vst.idx.msk $0xffff, v13  }
0x54: {  	s31 =	sshll.u32 s30, $0x5;
	v53 =	vld [tilespmem:s29+$0x420];
	v10 =	vor.u32 v51, v52;
	[tilespmem:v7+s25+$0x0] =	vst.idx.msk $0xffff, v11  }
0x55: {  	s0 =	sand.u32 $0x3FFFFFE0, s31;
	v56 =	vtrunc.f32 v50;
	v54 =	vshll.u32 v8, $0x7;
	[tilespmem:v12+s25+$0x0] =	vst.idx.msk $0xffff, v15  }
0x56: {  	v55 =	vld [tilespmem:s29+$0x4A0];
	v57 =	vtrunc.f32 v17;
	v9 =	vor.u32 v51, v54;
	[tilespmem:s0+$0x4900] =	vst v2;
	v2 =	vcvt.f32.s32 v56  }
0x57: {  	s1 =	sor.u32 $0x30, s29;
	[tilespmem:s0+$0x4910] =	vst v3;
	v3 =	vcvt.f32.s32 v57  }
0x58: {  	v58 =	vor.u32 s1, v1;
	[tilespmem:s0+$0x4920] =	vst v4;
	v59 =	vshll.u32 v2, $0x7  }
0x59: {  	v60 =	vld [tilespmem:s29+$0x430];
	v61 =	vshll.u32 v3, $0x7;
	[tilespmem:v10+s25+$0x0] =	vst.idx.msk $0xffff, v53;
	v10 =	vor.u32 v58, v59  }
0x5a: {  	v63 =	vld [tilespmem:s29+$0x4B0];
	[tilespmem:s0+$0x4930] =	vst v5;
	v62 =	vor.u32 v58, v61  }
0x5b: {  	[tilespmem:v9+s25+$0x0] =	vst.idx.msk $0xffff, v55  }
0x5c: {  	p1 =	por p0, p0;
	[tilespmem:s0+$0x4940] =	vst v6  }
.Ltmp2:
0x5d: {  	[tilespmem:s0+$0x4950] =	vst v8;
	(pc) =	sbr.rel @p1 .LBB2_6-.Ltmp2, $4  }
0x5e: {  	[tilespmem:v10+s25+$0x0] =	vst.idx.msk $0xffff, v60  }
0x5f: {  	[tilespmem:v62+s25+$0x0] =	vst.idx.msk $0xffff, v63  }
0x60: {  	[tilespmem:s0+$0x4960] =	vst v2  }
0x61: {  	s30 =	simm.s32 $0x4;
	p0 =	por $0x0, $0x0;
	[tilespmem:s0+$0x4970] =	vst v3  }
0x62: {  	[hbm4b:s7+s20] =	stream.strided.scatter [tilespmem:s25], [sflag:$0x4], $0x2000, s23, s20, $0x38;
	[tilespmem:$0x4A00] =	vst v63  }
0x63: {  	s29 =	simm.s32 $0x0  }
0x64: {  	[tilespmem:s20], [sflag:$0x2] =	stream.linear.gather [hbm4b:s8+s29], $0x400, $0x38;
	[tilespmem:$0x4A00] =	vst v63  }
0x65: {  	_ =	swait.ge [sflag:s21], $0x400  }
0x66: {  	[sflag:s21] =	ssyncset.done $0x0  }
0x67: {  	[sflag:s21] =	ssyncadd.s32 $0xFFFFFC00  }
0x68: {  	_ =	swait.ge [sflag:s26], $0x2000  }
0x69: {  	[sflag:s26] =	ssyncset.done $0x0  }
0x6a: {  	s0 =	simm.s32 $0x4810;
	s30 =	simm.s32 $0x0;
	[sflag:s26] =	ssyncadd.s32 $0xFFFFE000  }
.LBB2_8:
0x6b: {  	v2 =	vld [tilespmem:s0+$0xFFFFFFF0];
	_ =	sdelay $0x4  }
0x6c: {  	v3 =	vor.u32 s30, v1;
	v2 =	vshll.u32 v2, $0x7  }
0x6d: {  	v2 =	vadd.s32 v3, v2;
	_ =	sdelay $0x4  }
0x6e: {  	[tilespmem:v2+s22+$0x0] =	vst.idx.msk $0xffff, v0  }
0x6f: {  	v2 =	vld [tilespmem:s0+$0x0];
	_ =	sdelay $0x4  }
0x70: {  	v2 =	vshll.u32 v2, $0x7  }
0x71: {  	p0 =	sne.s32 s30, $0x70;
	v2 =	vadd.s32 v3, v2  }
.Ltmp3:
0x72: {  	_ = 	snop;
	(pc) =	sbr.rel @p0 .LBB2_8-.Ltmp3, $2  }
0x73: {  	_ =	sdelay $0x2  }
0x74: {  	s30 =	sadd.s32 $0x10, s30;
	s0 =	sadd.s32 $0x20, s0;
	[tilespmem:v2+s22+$0x0] =	vst.idx.msk $0xffff, v0  }
0x75: {  	p0 =	por $0x1, $0x1  }
.LBB2_10:
0x76: {  	s0 =	sshll.u32 s29, $0x4  }
0x77: {  	v2 =	vld [tilespmem:s0+$0x100]  }
0x78: {  	v3 =	vld [tilespmem:s0+$0x180]  }
0x79: {  	s1 =	sor.u32 $0x1, s29  }
0x7a: {  	s30 =	sor.u32 $0x2, s29;
	s3 =	sshll.u32 s1, $0x4  }
0x7b: {  	s4 =	sshll.u32 s30, $0x4;
	v4 =	vld [tilespmem:s3+$0x100]  }
0x7c: {  	v6 =	vld [tilespmem:s4+$0x100];
	v2 =	vtrunc.f32 v2  }
0x7d: {  	v5 =	vld [tilespmem:s3+$0x180];
	v3 =	vtrunc.f32 v3;
	v2 =	vcvt.f32.s32 v2  }
0x7e: {  	v7 =	vld [tilespmem:s4+$0x180];
	v3 =	vcvt.f32.s32 v3  }
0x7f: {  	v8 =	vor.u32 s0, v1;
	v10 =	vld [tilespmem:s0+$0x0];
	v50 =	vor.u32 s3, v1;
	v9 =	vshll.u32 v2, $0x7  }
0x80: {  	v12 =	vld [tilespmem:s0+$0x80];
	v4 =	vtrunc.f32 v4;
	v11 =	vshll.u32 v3, $0x7;
	v9 =	vor.u32 v8, v9  }
0x81: {  	s0 =	sor.u32 $0x3, s29;
	v13 =	vld [tilespmem:s3+$0x0];
	v6 =	vtrunc.f32 v6;
	v4 =	vcvt.f32.s32 v4;
	v8 =	vor.u32 v8, v11  }
0x82: {  	s31 =	sshll.u32 s0, $0x4;
	v18 =	vld [tilespmem:s3+$0x80];
	v52 =	vor.u32 s4, v1;
	v5 =	vtrunc.f32 v5;
	v6 =	vcvt.f32.s32 v6  }
0x83: {  	v15 =	vld [tilespmem:s31+$0x100];
	v7 =	vtrunc.f32 v7;
	v5 =	vcvt.f32.s32 v5;
	v14 =	vshll.u32 v4, $0x7  }
0x84: {  	v17 =	vld [tilespmem:s31+$0x180];
	v7 =	vcvt.f32.s32 v7;
	v53 =	vshll.u32 v6, $0x7;
	v14 =	vor.u32 v50, v14  }
0x85: {  	s3 =	sshll.u32 s29, $0x5;
	v54 =	vld [tilespmem:s4+$0x0];
	v16 =	vshll.u32 v5, $0x7;
	v11 =	vor.u32 v52, v53;
	[tilespmem:v9+s22+$0x0] =	vst.idx.msk $0xffff, v10  }
0x86: {  	s3 =	sand.u32 $0x3FFFFFE0, s3;
	v55 =	vshll.u32 v7, $0x7;
	v51 =	vor.u32 v50, v16;
	[tilespmem:v8+s22+$0x0] =	vst.idx.msk $0xffff, v12  }
0x87: {  	v56 =	vld [tilespmem:s4+$0x80];
	[tilespmem:s3+$0x4800] =	vst v2;
	v2 =	vor.u32 v52, v55  }
0x88: {  	[tilespmem:s3+$0x4810] =	vst v3;
	v3 =	vtrunc.f32 v15  }
0x89: {  	v57 =	vtrunc.f32 v17;
	[tilespmem:v14+s22+$0x0] =	vst.idx.msk $0xffff, v13;
	v3 =	vcvt.f32.s32 v3  }
0x8a: {  	v58 =	vcvt.f32.s32 v57;
	[tilespmem:v11+s22+$0x0] =	vst.idx.msk $0xffff, v54  }
0x8b: {  	v59 =	vor.u32 s31, v1;
	[tilespmem:v51+s22+$0x0] =	vst.idx.msk $0xffff, v18;
	v60 =	vshll.u32 v3, $0x7  }
0x8c: {  	s1 =	sshll.u32 s1, $0x5;
	v61 =	vshll.u32 v58, $0x7;
	v10 =	vor.u32 v59, v60;
	[tilespmem:v2+s22+$0x0] =	vst.idx.msk $0xffff, v56;
	v2 =	vld [tilespmem:s31+$0x0]  }
0x8d: {  	v62 =	vld [tilespmem:s31+$0x80];
	v63 =	vor.u32 v59, v61;
	[tilespmem:s1+$0x4800] =	vst v4;
	s1 =	sor.u32 $0x30, s1  }
0x8e: {  	[tilespmem:s1+$0x4800] =	vst v5;
	s31 =	sshll.u32 s30, $0x5  }
0x8f: {  	p1 =	por p0, p0;
	[tilespmem:s31+$0x4800] =	vst v6;
	s1 =	sor.u32 $0x50, s31  }
.Ltmp4:
0x90: {  	[tilespmem:s1+$0x4800] =	vst v7;
	(pc) =	sbr.rel @p1 .LBB2_10-.Ltmp4, $4  }
0x91: {  	[tilespmem:v10+s22+$0x0] =	vst.idx.msk $0xffff, v2  }
0x92: {  	s0 =	sshll.u32 s0, $0x5;
	[tilespmem:v63+s22+$0x0] =	vst.idx.msk $0xffff, v62  }
0x93: {  	[tilespmem:s0+$0x4800] =	vst v3;
	s0 =	sor.u32 $0x70, s0  }
0x94: {  	p0 =	por $0x0, $0x0;
	s29 =	simm.s32 $0x4;
	[tilespmem:s0+$0x4800] =	vst v58  }
0x95: {  	[hbm4b:s9+s20] =	stream.strided.scatter [tilespmem:s22], [sflag:$0x3], $0x2000, s23, s20, $0x38;
	[tilespmem:$0x4A00] =	vst v63  }
0x96: {  	s29 =	simm.s32 $0x0  }
0x97: {  	[tilespmem:s29], [sflag:$0x1] =	stream.linear.gather [hbm4b:s10+s29], $0x400, $0x38;
	[tilespmem:$0x4A00] =	vst v63  }
0x98: {  	_ =	swait.ge [sflag:s24], $0x400  }
0x99: {  	[sflag:s24] =	ssyncset.done $0x0  }
0x9a: {  	[sflag:s24] =	ssyncadd.s32 $0xFFFFFC00  }
0x9b: {  	_ =	swait.ge [sflag:s28], $0x2000  }
0x9c: {  	s30 =	simm.s32 $0x4910;
	[sflag:s28] =	ssyncset.done $0x0  }
0x9d: {  	s31 =	simm.s32 $0x0;
	s0 =	simm.s32 $0x0;
	[sflag:s28] =	ssyncadd.s32 $0xFFFFE000  }
.LBB2_12:
0x9e: {  	s1 =	sand.u32 $0xE0, s31  }
0x9f: {  	v2 =	vld [tilespmem:s1+$0x4900];
	_ =	sdelay $0x4  }
0xa0: {  	v3 =	vor.u32 s0, v1;
	v2 =	vshll.u32 v2, $0x7  }
0xa1: {  	v2 =	vadd.s32 v3, v2;
	_ =	sdelay $0x4  }
0xa2: {  	[tilespmem:v2+s25+$0x0] =	vst.idx.msk $0xffff, v0  }
0xa3: {  	v2 =	vld [tilespmem:s30+$0x0];
	_ =	sdelay $0x4  }
0xa4: {  	v2 =	vshll.u32 v2, $0x7  }
0xa5: {  	p0 =	sne.s32 s0, $0x70;
	v2 =	vadd.s32 v3, v2  }
.Ltmp5:
0xa6: {  	_ = 	snop;
	(pc) =	sbr.rel @p0 .LBB2_12-.Ltmp5, $2  }
0xa7: {  	_ =	sdelay $0x2  }
0xa8: {  	s31 =	sadd.s32 $0x20, s31;
	s0 =	sadd.s32 $0x10, s0;
	s30 =	sadd.s32 $0x20, s30;
	[tilespmem:v2+s25+$0x0] =	vst.idx.msk $0xffff, v0  }
0xa9: {  	p0 =	por $0x1, $0x1  }
.LBB2_14:
0xaa: {  	s30 =	sshll.u32 s29, $0x4  }
0xab: {  	v2 =	vld [tilespmem:s30+$0x500]  }
0xac: {  	v4 =	vld [tilespmem:s30+$0x510]  }
0xad: {  	v3 =	vld [tilespmem:s30+$0x580]  }
0xae: {  	v5 =	vld [tilespmem:s30+$0x590];
	_ =	sdelay $0x1  }
0xaf: {  	v2 =	vtrunc.f32 v2  }
0xb0: {  	v6 =	vld [tilespmem:s30+$0x520];
	v7 =	vor.u32 s30, v1;
	s0 =	sor.u32 $0x10, s30;
	v4 =	vtrunc.f32 v4;
	v2 =	vcvt.f32.s32 v2  }
0xb1: {  	v8 =	vld [tilespmem:s30+$0x5A0];
	v49 =	vor.u32 s0, v1;
	v3 =	vtrunc.f32 v3;
	v4 =	vcvt.f32.s32 v4  }
0xb2: {  	v9 =	vld [tilespmem:s30+$0x400];
	v5 =	vtrunc.f32 v5;
	v3 =	vcvt.f32.s32 v3;
	v10 =	vshll.u32 v2, $0x7  }
0xb3: {  	v11 =	vld [tilespmem:s30+$0x480];
	v5 =	vcvt.f32.s32 v5;
	v14 =	vshll.u32 v4, $0x7;
	v10 =	vor.u32 v7, v10  }
0xb4: {  	v13 =	vld [tilespmem:s30+$0x410];
	v12 =	vshll.u32 v3, $0x7;
	v14 =	vor.u32 v49, v14  }
0xb5: {  	v15 =	vld [tilespmem:s30+$0x490];
	v16 =	vshll.u32 v5, $0x7;
	v7 =	vor.u32 v7, v12  }
0xb6: {  	v50 =	vld [tilespmem:s30+$0x530];
	v6 =	vtrunc.f32 v6;
	v12 =	vor.u32 v49, v16  }
0xb7: {  	v17 =	vld [tilespmem:s30+$0x5B0];
	v6 =	vcvt.f32.s32 v6  }
0xb8: {  	s4 =	sor.u32 $0x20, s30;
	v8 =	vtrunc.f32 v8;
	[tilespmem:v10+s25+$0x0] =	vst.idx.msk $0xffff, v9  }
0xb9: {  	v51 =	vor.u32 s4, v1;
	v8 =	vcvt.f32.s32 v8;
	v52 =	vshll.u32 v6, $0x7;
	[tilespmem:v14+s25+$0x0] =	vst.idx.msk $0xffff, v13  }
0xba: {  	s31 =	sshll.u32 s29, $0x5;
	v53 =	vld [tilespmem:s30+$0x420];
	v10 =	vor.u32 v51, v52;
	[tilespmem:v7+s25+$0x0] =	vst.idx.msk $0xffff, v11  }
0xbb: {  	s0 =	sand.u32 $0x3FFFFFE0, s31;
	v56 =	vtrunc.f32 v50;
	v54 =	vshll.u32 v8, $0x7;
	[tilespmem:v12+s25+$0x0] =	vst.idx.msk $0xffff, v15  }
0xbc: {  	v55 =	vld [tilespmem:s30+$0x4A0];
	v57 =	vtrunc.f32 v17;
	v9 =	vor.u32 v51, v54;
	[tilespmem:s0+$0x4900] =	vst v2;
	v2 =	vcvt.f32.s32 v56  }
0xbd: {  	s1 =	sor.u32 $0x30, s30;
	[tilespmem:s0+$0x4910] =	vst v3;
	v3 =	vcvt.f32.s32 v57  }
0xbe: {  	v58 =	vor.u32 s1, v1;
	[tilespmem:s0+$0x4920] =	vst v4;
	v59 =	vshll.u32 v2, $0x7  }
0xbf: {  	v60 =	vld [tilespmem:s30+$0x430];
	v61 =	vshll.u32 v3, $0x7;
	[tilespmem:v10+s25+$0x0] =	vst.idx.msk $0xffff, v53;
	v10 =	vor.u32 v58, v59  }
0xc0: {  	v63 =	vld [tilespmem:s30+$0x4B0];
	[tilespmem:s0+$0x4930] =	vst v5;
	v62 =	vor.u32 v58, v61  }
0xc1: {  	[tilespmem:v9+s25+$0x0] =	vst.idx.msk $0xffff, v55  }
0xc2: {  	p1 =	por p0, p0;
	[tilespmem:s0+$0x4940] =	vst v6  }
.Ltmp6:
0xc3: {  	[tilespmem:s0+$0x4950] =	vst v8;
	(pc) =	sbr.rel @p1 .LBB2_14-.Ltmp6, $4  }
0xc4: {  	[tilespmem:v10+s25+$0x0] =	vst.idx.msk $0xffff, v60  }
0xc5: {  	[tilespmem:v62+s25+$0x0] =	vst.idx.msk $0xffff, v63  }
0xc6: {  	[tilespmem:s0+$0x4960] =	vst v2  }
0xc7: {  	s29 =	simm.s32 $0x4;
	p0 =	por $0x0, $0x0;
	[tilespmem:s0+$0x4970] =	vst v3  }
0xc8: {  	[hbm4b:s11+s20] =	stream.strided.scatter [tilespmem:s25], [sflag:$0x4], $0x2000, s23, s20, $0x38;
	[tilespmem:$0x4A00] =	vst v63  }
0xc9: {  	s29 =	simm.s32 $0x0  }
0xca: {  	[tilespmem:s20], [sflag:$0x2] =	stream.linear.gather [hbm4b:s12+s29], $0x400, $0x38;
	[tilespmem:$0x4A00] =	vst v63  }
0xcb: {  	_ =	swait.ge [sflag:s21], $0x400  }
0xcc: {  	[sflag:s21] =	ssyncset.done $0x0  }
0xcd: {  	[sflag:s21] =	ssyncadd.s32 $0xFFFFFC00  }
0xce: {  	_ =	swait.ge [sflag:s26], $0x2000  }
0xcf: {  	[sflag:s26] =	ssyncset.done $0x0  }
0xd0: {  	s0 =	simm.s32 $0x4810;
	s30 =	simm.s32 $0x0;
	[sflag:s26] =	ssyncadd.s32 $0xFFFFE000  }
.LBB2_16:
0xd1: {  	v2 =	vld [tilespmem:s0+$0xFFFFFFF0];
	_ =	sdelay $0x4  }
0xd2: {  	v3 =	vor.u32 s30, v1;
	v2 =	vshll.u32 v2, $0x7  }
0xd3: {  	v2 =	vadd.s32 v3, v2;
	_ =	sdelay $0x4  }
0xd4: {  	[tilespmem:v2+s22+$0x0] =	vst.idx.msk $0xffff, v0  }
0xd5: {  	v2 =	vld [tilespmem:s0+$0x0];
	_ =	sdelay $0x4  }
0xd6: {  	v2 =	vshll.u32 v2, $0x7  }
0xd7: {  	p0 =	sne.s32 s30, $0x70;
	v2 =	vadd.s32 v3, v2  }
.Ltmp7:
0xd8: {  	_ = 	snop;
	(pc) =	sbr.rel @p0 .LBB2_16-.Ltmp7, $2  }
0xd9: {  	_ =	sdelay $0x2  }
0xda: {  	s30 =	sadd.s32 $0x10, s30;
	s0 =	sadd.s32 $0x20, s0;
	[tilespmem:v2+s22+$0x0] =	vst.idx.msk $0xffff, v0  }
0xdb: {  	p0 =	por $0x1, $0x1  }
.LBB2_18:
0xdc: {  	s0 =	sshll.u32 s29, $0x4  }
0xdd: {  	v2 =	vld [tilespmem:s0+$0x100]  }
0xde: {  	v3 =	vld [tilespmem:s0+$0x180]  }
0xdf: {  	s1 =	sor.u32 $0x1, s29  }
0xe0: {  	s30 =	sor.u32 $0x2, s29;
	s3 =	sshll.u32 s1, $0x4  }
0xe1: {  	s4 =	sshll.u32 s30, $0x4;
	v4 =	vld [tilespmem:s3+$0x100]  }
0xe2: {  	v6 =	vld [tilespmem:s4+$0x100];
	v2 =	vtrunc.f32 v2  }
0xe3: {  	v5 =	vld [tilespmem:s3+$0x180];
	v3 =	vtrunc.f32 v3;
	v2 =	vcvt.f32.s32 v2  }
0xe4: {  	v7 =	vld [tilespmem:s4+$0x180];
	v3 =	vcvt.f32.s32 v3  }
0xe5: {  	v8 =	vor.u32 s0, v1;
	v10 =	vld [tilespmem:s0+$0x0];
	v50 =	vor.u32 s3, v1;
	v9 =	vshll.u32 v2, $0x7  }
0xe6: {  	v12 =	vld [tilespmem:s0+$0x80];
	v4 =	vtrunc.f32 v4;
	v11 =	vshll.u32 v3, $0x7;
	v9 =	vor.u32 v8, v9  }
0xe7: {  	s0 =	sor.u32 $0x3, s29;
	v13 =	vld [tilespmem:s3+$0x0];
	v6 =	vtrunc.f32 v6;
	v4 =	vcvt.f32.s32 v4;
	v8 =	vor.u32 v8, v11  }
0xe8: {  	s31 =	sshll.u32 s0, $0x4;
	v18 =	vld [tilespmem:s3+$0x80];
	v52 =	vor.u32 s4, v1;
	v5 =	vtrunc.f32 v5;
	v6 =	vcvt.f32.s32 v6  }
0xe9: {  	v15 =	vld [tilespmem:s31+$0x100];
	v7 =	vtrunc.f32 v7;
	v5 =	vcvt.f32.s32 v5;
	v14 =	vshll.u32 v4, $0x7  }
0xea: {  	v17 =	vld [tilespmem:s31+$0x180];
	v7 =	vcvt.f32.s32 v7;
	v53 =	vshll.u32 v6, $0x7;
	v14 =	vor.u32 v50, v14  }
0xeb: {  	s3 =	sshll.u32 s29, $0x5;
	v54 =	vld [tilespmem:s4+$0x0];
	v16 =	vshll.u32 v5, $0x7;
	v11 =	vor.u32 v52, v53;
	[tilespmem:v9+s22+$0x0] =	vst.idx.msk $0xffff, v10  }
0xec: {  	s3 =	sand.u32 $0x3FFFFFE0, s3;
	v55 =	vshll.u32 v7, $0x7;
	v51 =	vor.u32 v50, v16;
	[tilespmem:v8+s22+$0x0] =	vst.idx.msk $0xffff, v12  }
0xed: {  	v56 =	vld [tilespmem:s4+$0x80];
	[tilespmem:s3+$0x4800] =	vst v2;
	v2 =	vor.u32 v52, v55  }
0xee: {  	[tilespmem:s3+$0x4810] =	vst v3;
	v3 =	vtrunc.f32 v15  }
0xef: {  	v57 =	vtrunc.f32 v17;
	[tilespmem:v14+s22+$0x0] =	vst.idx.msk $0xffff, v13;
	v3 =	vcvt.f32.s32 v3  }
0xf0: {  	v58 =	vcvt.f32.s32 v57;
	[tilespmem:v11+s22+$0x0] =	vst.idx.msk $0xffff, v54  }
0xf1: {  	v59 =	vor.u32 s31, v1;
	[tilespmem:v51+s22+$0x0] =	vst.idx.msk $0xffff, v18;
	v60 =	vshll.u32 v3, $0x7  }
0xf2: {  	s1 =	sshll.u32 s1, $0x5;
	v61 =	vshll.u32 v58, $0x7;
	v10 =	vor.u32 v59, v60;
	[tilespmem:v2+s22+$0x0] =	vst.idx.msk $0xffff, v56;
	v2 =	vld [tilespmem:s31+$0x0]  }
0xf3: {  	v62 =	vld [tilespmem:s31+$0x80];
	v63 =	vor.u32 v59, v61;
	[tilespmem:s1+$0x4800] =	vst v4;
	s1 =	sor.u32 $0x30, s1  }
0xf4: {  	[tilespmem:s1+$0x4800] =	vst v5;
	s31 =	sshll.u32 s30, $0x5  }
0xf5: {  	p1 =	por p0, p0;
	[tilespmem:s31+$0x4800] =	vst v6;
	s1 =	sor.u32 $0x50, s31  }
.Ltmp8:
0xf6: {  	[tilespmem:s1+$0x4800] =	vst v7;
	(pc) =	sbr.rel @p1 .LBB2_18-.Ltmp8, $4  }
0xf7: {  	[tilespmem:v10+s22+$0x0] =	vst.idx.msk $0xffff, v2  }
0xf8: {  	s0 =	sshll.u32 s0, $0x5;
	[tilespmem:v63+s22+$0x0] =	vst.idx.msk $0xffff, v62  }
0xf9: {  	[tilespmem:s0+$0x4800] =	vst v3;
	s0 =	sor.u32 $0x70, s0  }
0xfa: {  	p0 =	por $0x0, $0x0;
	s29 =	simm.s32 $0x4;
	[tilespmem:s0+$0x4800] =	vst v58  }
0xfb: {  	[hbm4b:s13+s20] =	stream.strided.scatter [tilespmem:s22], [sflag:$0x3], $0x2000, s23, s20, $0x38;
	[tilespmem:$0x4A00] =	vst v63  }
0xfc: {  	s29 =	simm.s32 $0x0  }
0xfd: {  	[tilespmem:s29], [sflag:$0x1] =	stream.linear.gather [hbm4b:s14+s29], $0x400, $0x38;
	[tilespmem:$0x4A00] =	vst v63  }
0xfe: {  	_ =	swait.ge [sflag:s24], $0x400  }
0xff: {  	[sflag:s24] =	ssyncset.done $0x0  }
0x100: {  	[sflag:s24] =	ssyncadd.s32 $0xFFFFFC00  }
0x101: {  	_ =	swait.ge [sflag:s28], $0x2000  }
0x102: {  	s30 =	simm.s32 $0x4910;
	[sflag:s28] =	ssyncset.done $0x0  }
0x103: {  	s31 =	simm.s32 $0x0;
	s0 =	simm.s32 $0x0;
	[sflag:s28] =	ssyncadd.s32 $0xFFFFE000  }
.LBB2_20:
0x104: {  	s1 =	sand.u32 $0xE0, s31  }
0x105: {  	v2 =	vld [tilespmem:s1+$0x4900];
	_ =	sdelay $0x4  }
0x106: {  	v3 =	vor.u32 s0, v1;
	v2 =	vshll.u32 v2, $0x7  }
0x107: {  	v2 =	vadd.s32 v3, v2;
	_ =	sdelay $0x4  }
0x108: {  	[tilespmem:v2+s25+$0x0] =	vst.idx.msk $0xffff, v0  }
0x109: {  	v2 =	vld [tilespmem:s30+$0x0];
	_ =	sdelay $0x4  }
0x10a: {  	v2 =	vshll.u32 v2, $0x7  }
0x10b: {  	p0 =	sne.s32 s0, $0x70;
	v2 =	vadd.s32 v3, v2  }
.Ltmp9:
0x10c: {  	_ = 	snop;
	(pc) =	sbr.rel @p0 .LBB2_20-.Ltmp9, $2  }
0x10d: {  	_ =	sdelay $0x2  }
0x10e: {  	s31 =	sadd.s32 $0x20, s31;
	s0 =	sadd.s32 $0x10, s0;
	s30 =	sadd.s32 $0x20, s30;
	[tilespmem:v2+s25+$0x0] =	vst.idx.msk $0xffff, v0  }
0x10f: {  	p0 =	por $0x1, $0x1  }
.LBB2_22:
0x110: {  	s30 =	sshll.u32 s29, $0x4  }
0x111: {  	v2 =	vld [tilespmem:s30+$0x500]  }
0x112: {  	v4 =	vld [tilespmem:s30+$0x510]  }
0x113: {  	v3 =	vld [tilespmem:s30+$0x580]  }
0x114: {  	v5 =	vld [tilespmem:s30+$0x590];
	_ =	sdelay $0x1  }
0x115: {  	v2 =	vtrunc.f32 v2  }
0x116: {  	v6 =	vld [tilespmem:s30+$0x520];
	v7 =	vor.u32 s30, v1;
	s0 =	sor.u32 $0x10, s30;
	v4 =	vtrunc.f32 v4;
	v2 =	vcvt.f32.s32 v2  }
0x117: {  	v8 =	vld [tilespmem:s30+$0x5A0];
	v49 =	vor.u32 s0, v1;
	v3 =	vtrunc.f32 v3;
	v4 =	vcvt.f32.s32 v4  }
0x118: {  	v9 =	vld [tilespmem:s30+$0x400];
	v5 =	vtrunc.f32 v5;
	v3 =	vcvt.f32.s32 v3;
	v10 =	vshll.u32 v2, $0x7  }
0x119: {  	v11 =	vld [tilespmem:s30+$0x480];
	v5 =	vcvt.f32.s32 v5;
	v14 =	vshll.u32 v4, $0x7;
	v10 =	vor.u32 v7, v10  }
0x11a: {  	v13 =	vld [tilespmem:s30+$0x410];
	v12 =	vshll.u32 v3, $0x7;
	v14 =	vor.u32 v49, v14  }
0x11b: {  	v15 =	vld [tilespmem:s30+$0x490];
	v16 =	vshll.u32 v5, $0x7;
	v7 =	vor.u32 v7, v12  }
0x11c: {  	v50 =	vld [tilespmem:s30+$0x530];
	v6 =	vtrunc.f32 v6;
	v12 =	vor.u32 v49, v16  }
0x11d: {  	v17 =	vld [tilespmem:s30+$0x5B0];
	v6 =	vcvt.f32.s32 v6  }
0x11e: {  	s4 =	sor.u32 $0x20, s30;
	v8 =	vtrunc.f32 v8;
	[tilespmem:v10+s25+$0x0] =	vst.idx.msk $0xffff, v9  }
0x11f: {  	v51 =	vor.u32 s4, v1;
	v8 =	vcvt.f32.s32 v8;
	v52 =	vshll.u32 v6, $0x7;
	[tilespmem:v14+s25+$0x0] =	vst.idx.msk $0xffff, v13  }
0x120: {  	s31 =	sshll.u32 s29, $0x5;
	v53 =	vld [tilespmem:s30+$0x420];
	v10 =	vor.u32 v51, v52;
	[tilespmem:v7+s25+$0x0] =	vst.idx.msk $0xffff, v11  }
0x121: {  	s0 =	sand.u32 $0x3FFFFFE0, s31;
	v56 =	vtrunc.f32 v50;
	v54 =	vshll.u32 v8, $0x7;
	[tilespmem:v12+s25+$0x0] =	vst.idx.msk $0xffff, v15  }
0x122: {  	v55 =	vld [tilespmem:s30+$0x4A0];
	v57 =	vtrunc.f32 v17;
	v9 =	vor.u32 v51, v54;
	[tilespmem:s0+$0x4900] =	vst v2;
	v2 =	vcvt.f32.s32 v56  }
0x123: {  	s1 =	sor.u32 $0x30, s30;
	[tilespmem:s0+$0x4910] =	vst v3;
	v3 =	vcvt.f32.s32 v57  }
0x124: {  	v58 =	vor.u32 s1, v1;
	[tilespmem:s0+$0x4920] =	vst v4;
	v59 =	vshll.u32 v2, $0x7  }
0x125: {  	v60 =	vld [tilespmem:s30+$0x430];
	v61 =	vshll.u32 v3, $0x7;
	[tilespmem:v10+s25+$0x0] =	vst.idx.msk $0xffff, v53;
	v10 =	vor.u32 v58, v59  }
0x126: {  	v63 =	vld [tilespmem:s30+$0x4B0];
	[tilespmem:s0+$0x4930] =	vst v5;
	v62 =	vor.u32 v58, v61  }
0x127: {  	[tilespmem:v9+s25+$0x0] =	vst.idx.msk $0xffff, v55  }
0x128: {  	p1 =	por p0, p0;
	[tilespmem:s0+$0x4940] =	vst v6  }
.Ltmp10:
0x129: {  	[tilespmem:s0+$0x4950] =	vst v8;
	(pc) =	sbr.rel @p1 .LBB2_22-.Ltmp10, $4  }
0x12a: {  	[tilespmem:v10+s25+$0x0] =	vst.idx.msk $0xffff, v60  }
0x12b: {  	[tilespmem:v62+s25+$0x0] =	vst.idx.msk $0xffff, v63  }
0x12c: {  	[tilespmem:s0+$0x4960] =	vst v2  }
0x12d: {  	s29 =	simm.s32 $0x4;
	p0 =	por $0x0, $0x0;
	[tilespmem:s0+$0x4970] =	vst v3  }
0x12e: {  	[hbm4b:s15+s20] =	stream.strided.scatter [tilespmem:s25], [sflag:$0x4], $0x2000, s23, s20, $0x38;
	[tilespmem:$0x4A00] =	vst v63  }
0x12f: {  	s29 =	simm.s32 $0x0  }
0x130: {  	[tilespmem:s20], [sflag:$0x2] =	stream.linear.gather [hbm4b:s16+s29], $0x400, $0x38;
	[tilespmem:$0x4A00] =	vst v63  }
0x131: {  	_ =	swait.ge [sflag:s21], $0x400  }
0x132: {  	[sflag:s21] =	ssyncset.done $0x0  }
0x133: {  	[sflag:s21] =	ssyncadd.s32 $0xFFFFFC00  }
0x134: {  	_ =	swait.ge [sflag:s26], $0x2000  }
0x135: {  	[sflag:s26] =	ssyncset.done $0x0  }
0x136: {  	s0 =	simm.s32 $0x4810;
	s30 =	simm.s32 $0x0;
	[sflag:s26] =	ssyncadd.s32 $0xFFFFE000  }
.LBB2_24:
0x137: {  	v2 =	vld [tilespmem:s0+$0xFFFFFFF0];
	_ =	sdelay $0x4  }
0x138: {  	v3 =	vor.u32 s30, v1;
	v2 =	vshll.u32 v2, $0x7  }
0x139: {  	v2 =	vadd.s32 v3, v2;
	_ =	sdelay $0x4  }
0x13a: {  	[tilespmem:v2+s22+$0x0] =	vst.idx.msk $0xffff, v0  }
0x13b: {  	v2 =	vld [tilespmem:s0+$0x0];
	_ =	sdelay $0x4  }
0x13c: {  	v2 =	vshll.u32 v2, $0x7  }
0x13d: {  	p0 =	sne.s32 s30, $0x70;
	v2 =	vadd.s32 v3, v2  }
.Ltmp11:
0x13e: {  	_ = 	snop;
	(pc) =	sbr.rel @p0 .LBB2_24-.Ltmp11, $2  }
0x13f: {  	_ =	sdelay $0x2  }
0x140: {  	s30 =	sadd.s32 $0x10, s30;
	s0 =	sadd.s32 $0x20, s0;
	[tilespmem:v2+s22+$0x0] =	vst.idx.msk $0xffff, v0  }
0x141: {  	p0 =	por $0x1, $0x1  }
.LBB2_26:
0x142: {  	v2 =	vld [tilespmem:s29+$0x100]  }
0x143: {  	v3 =	vld [tilespmem:s29+$0x180]  }
0x144: {  	v4 =	vld [tilespmem:s29+$0x110]  }
0x145: {  	v5 =	vld [tilespmem:s29+$0x190]  }
0x146: {  	v6 =	vld [tilespmem:s29+$0x120]  }
0x147: {  	v8 =	vld [tilespmem:s29+$0x1A0]  }
0x148: {  	v9 =	vld [tilespmem:s29+$0x130]  }
0x149: {  	v10 =	vld [tilespmem:s29+$0x1B0];
	v2 =	vtrunc.f32 v2  }
0x14a: {  	v3 =	vtrunc.f32 v3;
	v4 =	vtrunc.f32 v4  }
0x14b: {  	v7 =	vor.u32 s29, v1;
	s0 =	sor.u32 $0x10, s29;
	v5 =	vtrunc.f32 v5;
	v6 =	vtrunc.f32 v6  }
0x14c: {  	s1 =	sor.u32 $0x20, s29;
	v58 =	vor.u32 s0, v1;
	v59 =	vtrunc.f32 v8;
	v2 =	vcvt.f32.s32 v2  }
0x14d: {  	v13 =	vor.u32 s1, v1;
	v9 =	vtrunc.f32 v9;
	v3 =	vcvt.f32.s32 v3  }
0x14e: {  	v10 =	vtrunc.f32 v10;
	v4 =	vcvt.f32.s32 v4;
	v2 =	vshll.u32 v2, $0x7  }
0x14f: {  	v11 =	vld [tilespmem:s29+$0x0];
	v6 =	vcvt.f32.s32 v6;
	v3 =	vshll.u32 v3, $0x7;
	v2 =	vor.u32 v7, v2  }
0x150: {  	v12 =	vld [tilespmem:s29+$0x80];
	v5 =	vcvt.f32.s32 v5;
	v4 =	vshll.u32 v4, $0x7;
	v3 =	vor.u32 v7, v3  }
0x151: {  	v60 =	vld [tilespmem:s0+$0x0];
	v6 =	vshll.u32 v6, $0x7;
	v4 =	vor.u32 v58, v4;
	v7 =	vcvt.f32.s32 v59  }
0x152: {  	v15 =	vld [tilespmem:s1+$0x0];
	v9 =	vcvt.f32.s32 v9;
	v5 =	vshll.u32 v5, $0x7;
	v6 =	vor.u32 v13, v6  }
0x153: {  	v14 =	vld [tilespmem:s29+$0x90];
	s31 =	sor.u32 $0x30, s29;
	v10 =	vcvt.f32.s32 v10;
	v5 =	vor.u32 v58, v5;
	v7 =	vshll.u32 v7, $0x7  }
0x154: {  	v61 =	vor.u32 s31, v1;
	v9 =	vshll.u32 v9, $0x7;
	v7 =	vor.u32 v13, v7;
	[tilespmem:v2+s22+$0x0] =	vst.idx.msk $0xffff, v11;
	v2 =	vld [tilespmem:s29+$0xA0]  }
0x155: {  	v10 =	vshll.u32 v10, $0x7;
	v9 =	vor.u32 v61, v9;
	[tilespmem:v3+s22+$0x0] =	vst.idx.msk $0xffff, v12;
	v3 =	vld [tilespmem:s31+$0x0]  }
0x156: {  	v63 =	vld [tilespmem:s29+$0xB0];
	p1 =	por p0, p0;
	v62 =	vor.u32 v61, v10;
	[tilespmem:v4+s22+$0x0] =	vst.idx.msk $0xffff, v60  }
.Ltmp12:
0x157: {  	[tilespmem:v6+s22+$0x0] =	vst.idx.msk $0xffff, v15;
	(pc) =	sbr.rel @p1 .LBB2_26-.Ltmp12, $4  }
0x158: {  	[tilespmem:v5+s22+$0x0] =	vst.idx.msk $0xffff, v14  }
0x159: {  	[tilespmem:v7+s22+$0x0] =	vst.idx.msk $0xffff, v2  }
0x15a: {  	[tilespmem:v9+s22+$0x0] =	vst.idx.msk $0xffff, v3  }
0x15b: {  	p0 =	por $0x0, $0x0;
	s29 =	simm.s32 $0x40;
	[tilespmem:v62+s22+$0x0] =	vst.idx.msk $0xffff, v63  }
0x15c: {  	[hbm4b:s17+s20] =	stream.strided.scatter [tilespmem:s22], [sflag:$0x3], $0x2000, s23, s20, $0x38;
	[tilespmem:$0x4A00] =	vst v63  }
0x15d: {  	_ =	swait.ge [sflag:s24], $0x400  }
0x15e: {  	[sflag:s24] =	ssyncset.done $0x0  }
0x15f: {  	[sflag:s24] =	ssyncadd.s32 $0xFFFFFC00  }
0x160: {  	_ =	swait.ge [sflag:s28], $0x2000  }
0x161: {  	s30 =	simm.s32 $0x4910;
	s29 =	simm.s32 $0x0;
	[sflag:s28] =	ssyncset.done $0x0  }
0x162: {  	s31 =	simm.s32 $0x0;
	s0 =	simm.s32 $0x0;
	[sflag:s28] =	ssyncadd.s32 $0xFFFFE000  }
.LBB2_28:
0x163: {  	s1 =	sand.u32 $0xE0, s31  }
0x164: {  	v2 =	vld [tilespmem:s1+$0x4900];
	_ =	sdelay $0x4  }
0x165: {  	v3 =	vor.u32 s0, v1;
	v2 =	vshll.u32 v2, $0x7  }
0x166: {  	v2 =	vadd.s32 v3, v2;
	_ =	sdelay $0x4  }
0x167: {  	[tilespmem:v2+s25+$0x0] =	vst.idx.msk $0xffff, v0  }
0x168: {  	v2 =	vld [tilespmem:s30+$0x0];
	_ =	sdelay $0x4  }
0x169: {  	v2 =	vshll.u32 v2, $0x7  }
0x16a: {  	p0 =	sne.s32 s0, $0x70;
	v2 =	vadd.s32 v3, v2  }
.Ltmp13:
0x16b: {  	_ = 	snop;
	(pc) =	sbr.rel @p0 .LBB2_28-.Ltmp13, $2  }
0x16c: {  	_ =	sdelay $0x2  }
0x16d: {  	s31 =	sadd.s32 $0x20, s31;
	s0 =	sadd.s32 $0x10, s0;
	s30 =	sadd.s32 $0x20, s30;
	[tilespmem:v2+s25+$0x0] =	vst.idx.msk $0xffff, v0  }
0x16e: {  	p0 =	por $0x1, $0x1  }
.LBB2_30:
0x16f: {  	v2 =	vld [tilespmem:s29+$0x500]  }
0x170: {  	v3 =	vld [tilespmem:s29+$0x580]  }
0x171: {  	v4 =	vld [tilespmem:s29+$0x510]  }
0x172: {  	v5 =	vld [tilespmem:s29+$0x590]  }
0x173: {  	v6 =	vld [tilespmem:s29+$0x520]  }
0x174: {  	v8 =	vld [tilespmem:s29+$0x5A0]  }
0x175: {  	v9 =	vld [tilespmem:s29+$0x530]  }
0x176: {  	v10 =	vld [tilespmem:s29+$0x5B0];
	v2 =	vtrunc.f32 v2  }
0x177: {  	v3 =	vtrunc.f32 v3;
	v4 =	vtrunc.f32 v4  }
0x178: {  	v7 =	vor.u32 s29, v1;
	s0 =	sor.u32 $0x10, s29;
	v5 =	vtrunc.f32 v5;
	v6 =	vtrunc.f32 v6  }
0x179: {  	s30 =	sor.u32 $0x20, s29;
	v58 =	vor.u32 s0, v1;
	v59 =	vtrunc.f32 v8;
	v2 =	vcvt.f32.s32 v2  }
0x17a: {  	v13 =	vor.u32 s30, v1;
	v9 =	vtrunc.f32 v9;
	v3 =	vcvt.f32.s32 v3  }
0x17b: {  	v10 =	vtrunc.f32 v10;
	v4 =	vcvt.f32.s32 v4;
	v2 =	vshll.u32 v2, $0x7  }
0x17c: {  	v11 =	vld [tilespmem:s29+$0x400];
	v6 =	vcvt.f32.s32 v6;
	v3 =	vshll.u32 v3, $0x7;
	v2 =	vor.u32 v7, v2  }
0x17d: {  	v12 =	vld [tilespmem:s29+$0x480];
	v5 =	vcvt.f32.s32 v5;
	v4 =	vshll.u32 v4, $0x7;
	v3 =	vor.u32 v7, v3  }
0x17e: {  	v60 =	vld [tilespmem:s29+$0x410];
	v6 =	vshll.u32 v6, $0x7;
	v4 =	vor.u32 v58, v4;
	v7 =	vcvt.f32.s32 v59  }
0x17f: {  	v15 =	vld [tilespmem:s29+$0x420];
	v9 =	vcvt.f32.s32 v9;
	v5 =	vshll.u32 v5, $0x7;
	v6 =	vor.u32 v13, v6  }
0x180: {  	v14 =	vld [tilespmem:s29+$0x490];
	s31 =	sor.u32 $0x30, s29;
	v10 =	vcvt.f32.s32 v10;
	v5 =	vor.u32 v58, v5;
	v7 =	vshll.u32 v7, $0x7  }
0x181: {  	v61 =	vor.u32 s31, v1;
	v9 =	vshll.u32 v9, $0x7;
	v7 =	vor.u32 v13, v7;
	[tilespmem:v2+s25+$0x0] =	vst.idx.msk $0xffff, v11;
	v2 =	vld [tilespmem:s29+$0x4A0]  }
0x182: {  	v10 =	vshll.u32 v10, $0x7;
	v9 =	vor.u32 v61, v9;
	[tilespmem:v3+s25+$0x0] =	vst.idx.msk $0xffff, v12;
	v3 =	vld [tilespmem:s29+$0x430]  }
0x183: {  	v63 =	vld [tilespmem:s29+$0x4B0];
	p1 =	por p0, p0;
	v62 =	vor.u32 v61, v10;
	[tilespmem:v4+s25+$0x0] =	vst.idx.msk $0xffff, v60  }
.Ltmp14:
0x184: {  	[tilespmem:v6+s25+$0x0] =	vst.idx.msk $0xffff, v15;
	(pc) =	sbr.rel @p1 .LBB2_30-.Ltmp14, $4  }
0x185: {  	[tilespmem:v5+s25+$0x0] =	vst.idx.msk $0xffff, v14  }
0x186: {  	[tilespmem:v7+s25+$0x0] =	vst.idx.msk $0xffff, v2  }
0x187: {  	[tilespmem:v9+s25+$0x0] =	vst.idx.msk $0xffff, v3  }
0x188: {  	p0 =	por $0x0, $0x0;
	s29 =	simm.s32 $0x40;
	[tilespmem:v62+s25+$0x0] =	vst.idx.msk $0xffff, v63  }
0x189: {  	[hbm4b:s18+s20] =	stream.strided.scatter [tilespmem:s25], [sflag:$0x4], $0x2000, s23, s20, $0x38;
	[tilespmem:$0x4A00] =	vst v63  }
0x18a: {  	s2 =	sadd.s32 $0x1, s2  }
0x18b: {  	_ =	swait.ge [sflag:s26], $0x2000;
	p0 =	sne.s32 s2, s19  }
.Ltmp15:
0x18c: {  	[sflag:s26] =	ssyncset.done $0x0;
	(pc) =	sbr.rel @p0 .LBB2_1-.Ltmp15, $4  }
0x18d: {  	[sflag:s26] =	ssyncadd.s32 $0xFFFFE000  }
0x18e: {  	_ =	swait.ge [sflag:s28], $0x2000  }
0x18f: {  	[sflag:s28] =	ssyncset.done $0x0  }
0x190: {  	[sflag:s28] =	ssyncadd.s32 $0xFFFFE000  }
0x191: {  	_ =	sfence.sel $0x180000  }
0x192: {  	[bflag:$0x0] =	sbarrier.arrive $0xFFFF  }
0x193: {  	_ =	strace $0x90000047  }
0x194: {  	s0 =	stileid.u32;
	[bflag:$0x2] =	sbarrier.arrive $0xFFFF  }
0x195: {  	p0 =	sne.s32 s0, $0x0;
	s0 =	rddreg [dreg:$0x2]  }
0x196: {  	s0 =	sadd.s32 @!p0 $0x100000, s0  }
0x197: {  	[sflag:s0] =	ssyncadd.tile.s32 @!p0 $0x1;
	_ =	shalt  }
.Lfunc_end2:
_tile_overlayer_lowered:
.L_overlay_start_2:
0x198: {  	(tag) =	ssettag $0x2  }
0x199: {  	s0 =	rddreg [dreg:$0x0];
	s2 =	stileid.u32  }
0x19a: {  	s1 =	rddreg [dreg:$0x1];
	p0 =	sne.s32 s2, $0x0  }
0x19b: {  	s3 =	rddreg [dreg:$0x2];
	[bflag:$0x3] =	sbarrier.arrive $0xFFFF;
	s2 =	simm.s32 @!p0 $0x1C05  }
0x19c: {  	[timem:s3], [sflag:s2] =	dma.local @!p0 [hbm:s0], s1  }
0x19d: {  	s0 =	simm.s32 @!p0 $0x5  }
0x19e: {  	_ =	swait.ge @!p0 [sflag:s0], s1  }
0x19f: {  	s1 =	ssub.s32 @!p0 $0x0, s1;
	[sflag:s0] =	ssyncset.done @!p0 $0x0  }
0x1a0: {  	[sflag:s0] =	ssyncadd.s32 @!p0 s1  }
0x1a1: {  	[bflag:$0x3] =	sbarrier.arrive $0xFFFF  }
0x1a2: {  	_ =	shalt  }

</sc_bundles>
